<compile_context>
chip_gen: v7x
topology: tpu7x:2x2x1
jax: 0.10.2.dev20260603
libtpu: 0.0.44.dev20260713+nightly
codegen_flags: <defaults>
</compile_context>

<pallas_src>
import functools

import jax
import jax.numpy as jnp
import numpy as np
from jax import lax
from jax.experimental import pallas as pl
from jax.experimental.pallas import tpu as pltpu
from jax.experimental.pallas import tpu_sc as plsc

_B, _T, _D = 4, 4096, 1024
_V = 1000000
_NGRAM_HEADS = 4
_MAX_NGRAM = 3
_E = 16
_NUM_TABLES = (_MAX_NGRAM - 1) * _NGRAM_HEADS
_C = _NUM_TABLES * _E
_N = _B * _T
_TB = 1024
_NW = 32
_RW = _N // _NW
_CH = 128
_NCHUNK = _NUM_TABLES * (_RW // _CH)
_Z = np.int32(0)


def _hash_indices(input_ids, hash_mult):
    ids = input_ids.astype(jnp.int64)
    idx_list = []
    for n in range(2, _MAX_NGRAM + 1):
        tokens = [ids]
        for offset in range(1, n):
            pad = jnp.zeros((ids.shape[0], offset), dtype=ids.dtype)
            tokens.append(jnp.concatenate([pad, ids[:, :-offset]], axis=1))
        h = tokens[0] * hash_mult[0]
        for i in range(1, n):
            h = h ^ (tokens[i] * hash_mult[i])
        for head in range(_NGRAM_HEADS):
            idx_list.append((h + head * 7919) % _V)
    return jnp.stack(idx_list).reshape(_NUM_TABLES, _N).astype(jnp.int32)


_VB = 16384


def _tr_body(in_ref, out_ref):
    x = in_ref[...]
    y = x.reshape(_C, _VB)
    out_ref[...] = jnp.swapaxes(y, 0, 1)


def _tc_transpose(tt):
    return pl.pallas_call(
        _tr_body,
        grid=((_V + _VB - 1) // _VB,),
        in_specs=[pl.BlockSpec((_NUM_TABLES, _E, _VB), lambda i: (_Z, _Z, i))],
        out_specs=pl.BlockSpec((_VB, _C), lambda i: (i, _Z)),
        out_shape=jax.ShapeDtypeStruct((_V, _C), jnp.float32),
    )(tt)


def _sc_gather(mt, idx_arr):
    mesh = plsc.VectorSubcoreMesh(core_axis_name="c", subcore_axis_name="s")

    @functools.partial(
        pl.kernel,
        mesh=mesh,
        out_type=jax.ShapeDtypeStruct((_N, _C), jnp.float32),
        compiler_params=pltpu.CompilerParams(needs_layout_passes=False),
        scratch_types=[
            pltpu.VMEM((_NCHUNK, _CH), jnp.int32),
            pltpu.VMEM((_CH, _C), jnp.float32),
            pltpu.VMEM((_CH, _C), jnp.float32),
            pltpu.VMEM((_CH, _C), jnp.float32),
            pltpu.SemaphoreType.DMA,
            pltpu.SemaphoreType.DMA,
        ],
    )
    def gather_k(mt_hbm, idx_hbm, out_hbm, idx_v, buf0, buf1, asm_v,
                 sem0, sem1):
        wid = lax.axis_index("s") * 2 + lax.axis_index("c")
        pltpu.sync_copy(idx_hbm.at[wid], idx_v)
        row_base = wid * _RW
        zeros16 = jnp.zeros((16,), jnp.int32)

        def start(c, buf, sem):
            return pltpu.async_copy(mt_hbm.at[idx_v.at[c]], buf, sem)

        def extract(c, buf):
            q = lax.div(c, jnp.int32(_NUM_TABLES))
            base = (c - q * jnp.int32(_NUM_TABLES)) * jnp.int32(16)

            def group_body(g, _):
                rows = g * jnp.int32(16) + lax.iota(jnp.int32, 16)
                for l in range(16):
                    colv = base + jnp.int32(l) + zeros16
                    vals = plsc.load_gather(buf, [rows, colv])
                    plsc.store_scatter(asm_v, [rows, colv], vals)
                return _

            lax.fori_loop(jnp.int32(0), jnp.int32(_CH // 16), group_body,
                          jnp.int32(0))

        def flush(q):
            pltpu.sync_copy(asm_v, out_hbm.at[pl.ds(row_base + q * _CH, _CH)])

        start(jnp.int32(0), buf0, sem0)

        def pair_body(k, carry):
            a = k * jnp.int32(2)
            b = a + jnp.int32(1)
            pltpu.make_async_copy(mt_hbm.at[idx_v.at[a]], buf0, sem0).wait()
            start(b, buf1, sem1)
            extract(a, buf0)
            pltpu.make_async_copy(mt_hbm.at[idx_v.at[b]], buf1, sem1).wait()

            @pl.when(b < jnp.int32(_NCHUNK - 1))
            def _():
                start(b + jnp.int32(1), buf0, sem0)

            extract(b, buf1)

            @pl.when(lax.rem(b, jnp.int32(8)) == jnp.int32(7))
            def _():
                flush(lax.div(b, jnp.int32(_NUM_TABLES)))

            return carry

        lax.fori_loop(jnp.int32(0), jnp.int32(_NCHUNK // 2), pair_body,
                      jnp.int32(0))

    return gather_k(mt, idx_arr)


def _tc_body(emb_ref, hid_ref, wk_ref, wv_ref, bk_ref, bv_ref, nk_ref,
             nq_ref, cw_ref, out_ref, carry):
    tb = pl.program_id(1)
    e = emb_ref[0]
    h = hid_ref[0]
    dn = (((1,), (0,)), ((), ()))
    key = lax.dot_general(e, wk_ref[...], dn,
                          preferred_element_type=jnp.float32) + bk_ref[0]
    norm_k = lax.rsqrt(jnp.mean(key * key, axis=1, keepdims=True) + 1e-6)
    norm_h = lax.rsqrt(jnp.mean(h * h, axis=1, keepdims=True) + 1e-6)
    a = key * norm_k * nk_ref[0]
    q = h * norm_h * nq_ref[0]
    g = jnp.sum(a * q, axis=1, keepdims=True) * np.float32(1.0 / np.sqrt(_D))
    s = jnp.sqrt(jnp.clip(jnp.abs(g), np.float32(1e-6), None))
    g = jnp.where(g < 0, -s, jnp.where(g > 0, s, jnp.float32(0.0)))
    g = jax.nn.sigmoid(g)
    value = g * (lax.dot_general(e, wv_ref[...], dn,
                                 preferred_element_type=jnp.float32)
                 + bv_ref[0])

    @pl.when(tb == 0)
    def _():
        carry[...] = jnp.zeros_like(carry)

    ext = jnp.concatenate([carry[5:8], value], axis=0)
    cw = cw_ref[...]
    vc = (ext[0:_TB] * cw[0] + ext[1:_TB + 1] * cw[1]
          + ext[2:_TB + 2] * cw[2] + ext[3:_TB + 3] * cw[3])
    out_ref[0] = value + vc * jax.nn.sigmoid(vc)
    carry[...] = value[_TB - 8:_TB]


def _tc_call(emb3, hidden, Wk, Wv, bk2, bv2, nk2, nq2, cwT):
    nt = _T // _TB
    return pl.pallas_call(
        _tc_body,
        grid=(_B, nt),
        in_specs=[
            pl.BlockSpec((1, _TB, _C), lambda b, t: (b, t, _Z)),
            pl.BlockSpec((1, _TB, _D), lambda b, t: (b, t, _Z)),
            pl.BlockSpec((_C, _D), lambda b, t: (_Z, _Z)),
            pl.BlockSpec((_C, _D), lambda b, t: (_Z, _Z)),
            pl.BlockSpec((1, _D), lambda b, t: (_Z, _Z)),
            pl.BlockSpec((1, _D), lambda b, t: (_Z, _Z)),
            pl.BlockSpec((1, _D), lambda b, t: (_Z, _Z)),
            pl.BlockSpec((1, _D), lambda b, t: (_Z, _Z)),
            pl.BlockSpec((4, _D), lambda b, t: (_Z, _Z)),
        ],
        out_specs=pl.BlockSpec((1, _TB, _D), lambda b, t: (b, t, _Z)),
        out_shape=jax.ShapeDtypeStruct((_B, _T, _D), jnp.float32),
        scratch_shapes=[pltpu.VMEM((8, _D), jnp.float32)],
    )(emb3, hidden, Wk, Wv, bk2, bv2, nk2, nq2, cwT)


def kernel(hidden_states, input_ids, emb_tables, Wk, bk, Wv, bv, nk_w, nq_w,
           conv_w, hash_mult):
    idx = _hash_indices(input_ids, hash_mult)
    idx_arr = (idx.reshape(_NUM_TABLES, _NW, _RW // _CH, _CH)
               .transpose(1, 2, 0, 3)
               .reshape(_NW, _NCHUNK, _CH))
    mt = _tc_transpose(jnp.transpose(emb_tables, (0, 2, 1)))
    emb_flat = _sc_gather(mt, idx_arr)
    emb3 = emb_flat.reshape(_B, _T, _C)
    out = _tc_call(
        emb3,
        hidden_states,
        Wk,
        Wv,
        bk.reshape(1, _D),
        bv.reshape(1, _D),
        nk_w.reshape(1, _D),
        nq_w.reshape(1, _D),
        conv_w.T,
    )
    return out

# --- scband reference (transcript-rebuilt; emitter-appended) ---
"""Pipeline reference for scband-engram-41472204210328 (READ-ONLY COPY).

The authoritative reference and input builder live on the scoring server;
editing this copy changes nothing except your own understanding.
"""

import jax, jax.numpy as jnp
import numpy as np
jax.config.update('jax_enable_x64', True)

B, T, D = 4, 4096, 1024
NGRAM_VOCAB = 1000000
NGRAM_HEADS = 4
MAX_NGRAM = 3
EMBED_PER_HEAD = 16
NUM_TABLES = (MAX_NGRAM - 1) * NGRAM_HEADS
TOTAL_EMBED = NUM_TABLES * EMBED_PER_HEAD
TOKEN_VOCAB = 100000

def rms_norm(x, w, eps=1e-6):
    norm = jax.lax.rsqrt(jnp.mean(jnp.square(x.astype(jnp.float32)), axis=-1, keepdims=True) + eps)
    return (x * norm).astype(x.dtype) * w

def hash_ngrams(input_ids, hash_mult):
    Bh, Th = input_ids.shape
    idx_list = []
    for n in range(2, MAX_NGRAM + 1):
        tokens = [input_ids]
        for offset in range(1, n):
            pad = jnp.zeros((Bh, offset), dtype=input_ids.dtype)
            tokens.append(jnp.concatenate([pad, input_ids[:, :-offset]], axis=1))
        h = tokens[0] * hash_mult[0]
        for i in range(1, n):
            h = h ^ (tokens[i] * hash_mult[i])
        for head in range(NGRAM_HEADS):
            idx_list.append((h + head * 7919) % NGRAM_VOCAB)
    return idx_list

def setup_inputs(seed: int = 0):
    key = jax.random.key(seed)
    ks = jax.random.split(key, 10)
    hidden_states = jax.random.normal(ks[0], (B, T, D), dtype=jnp.float32)
    input_ids = jax.random.randint(ks[1], (B, T), 0, TOKEN_VOCAB, dtype=jnp.int64)
    emb_tables = jax.random.normal(ks[2], (NUM_TABLES, NGRAM_VOCAB, EMBED_PER_HEAD), dtype=jnp.float32) * 0.02
    Wk = jax.random.normal(ks[3], (TOTAL_EMBED, D), dtype=jnp.float32) * 0.02
    bk = jnp.zeros((D,), dtype=jnp.float32)
    Wv = jax.random.normal(ks[4], (TOTAL_EMBED, D), dtype=jnp.float32) * 0.02
    bv = jnp.zeros((D,), dtype=jnp.float32)
    nk_w = jnp.ones((D,), dtype=jnp.float32)
    nq_w = jnp.ones((D,), dtype=jnp.float32)
    conv_w = jax.random.normal(ks[5], (D, 4), dtype=jnp.float32) * 0.02
    rng = np.random.RandomState(0)
    hash_mult = jnp.asarray(rng.randint(1, 100000, size=(MAX_NGRAM,)) * 2 + 1, dtype=jnp.int64)
    return {'hidden_states': hidden_states, 'input_ids': input_ids, 'emb_tables': emb_tables, 'Wk': Wk, 'bk': bk, 'Wv': Wv, 'bv': bv, 'nk_w': nk_w, 'nq_w': nq_w, 'conv_w': conv_w, 'hash_mult': hash_mult}

def reference(hidden_states, input_ids, emb_tables, Wk, bk, Wv, bv, nk_w, nq_w, conv_w, hash_mult):
    idx_list = hash_ngrams(input_ids, hash_mult)
    embeds = [jnp.take(emb_tables[i], idx, axis=0) for i, idx in enumerate(idx_list)]
    embeddings = jnp.concatenate(embeds, axis=-1)
    key = embeddings @ Wk + bk
    gate = jnp.sum(rms_norm(key, nk_w) * rms_norm(hidden_states, nq_w), axis=-1, keepdims=True)
    gate = gate / jnp.sqrt(jnp.float32(D))
    gate = jnp.sqrt(jnp.clip(jnp.abs(gate), 1e-6, None)) * jnp.sign(gate)
    gate = jax.nn.sigmoid(gate)
    value = gate * (embeddings @ Wv + bv)
    xp = jnp.pad(value, ((0, 0), (3, 0), (0, 0)))
    value_conv = sum(conv_w[:, k] * xp[:, k:k + T, :] for k in range(4))
    value_conv = value_conv * jax.nn.sigmoid(value_conv)
    return value + value_conv

if __name__ == "__main__":
    import jax
    _d = setup_inputs()
    print(jax.jit(kernel)(*tuple(_d.values())))

</pallas_src>

<mosaic_0001>
#map = affine_map<(d0, d1) -> (0, 0)>
#map1 = affine_map<(d0, d1) -> (0, 0, 0)>
module attributes {stable_mosaic.version = 14 : i64} {
  func.func @gather_k(%arg0: i32, %arg1: i32, %arg2: memref<1000000x128xf32, #tpu.memory_space<hbm>>, %arg3: memref<32x32x128xi32, #tpu.memory_space<hbm>>, %arg4: memref<16384x128xf32, #tpu.memory_space<hbm>>, %arg5: memref<32x128xi32, #tpu.memory_space<vmem>>, %arg6: memref<128x128xf32, #tpu.memory_space<vmem>>, %arg7: memref<128x128xf32, #tpu.memory_space<vmem>>, %arg8: memref<128x128xf32, #tpu.memory_space<vmem>>, %arg9: memref<!tpu.dma_semaphore, #tpu.memory_space<semaphore_mem>>, %arg10: memref<!tpu.dma_semaphore, #tpu.memory_space<semaphore_mem>>) attributes {dimension_semantics = [#tpu.dimension_semantics<core_parallel>, #tpu.dimension_semantics<subcore_parallel>], iteration_bounds = array<i64: 2, 16>, scalar_prefetch = 0 : i64, scratch_operands = 6 : i64, tpu.core_type = #tpu.core_type<sc_vector_subcore>, window_params = [{transform_indices = #map}, {transform_indices = #map1}, {transform_indices = #map}]} {
    %mul3A = arith.constant 2 : i32
    %mul3A_0 = arith.muli %arg1, %mul3A : i32
    %add3A = arith.addi %mul3A_0, %arg0 : i32
    "tpu.region"() ({
      %run_scoped3A = tpu.sem_alloc : memref<!tpu.dma_semaphore, #tpu.memory_space<semaphore_mem>>
      %dma_start3A_20 = arith.constant 0 : i32
      %dma_start3A_21 = arith.constant 0 : i32
      %dma_start3A_22 = tpu.memref_slice %arg3[%add3A, %dma_start3A_20, %dma_start3A_21] : memref<32x32x128xi32, #tpu.memory_space<hbm>> -> memref<1x32x128xi32, #tpu.memory_space<hbm>>
      %dma_start3A_23 = tpu.memref_squeeze %dma_start3A_22 : memref<1x32x128xi32, #tpu.memory_space<hbm>> -> memref<32x128xi32, #tpu.memory_space<hbm>>
      %dma_start3A_24 = arith.constant 0 : i32
      %dma_start3A_25 = arith.constant 0 : i32
      %dma_start3A_26 = tpu.memref_slice %arg3[%add3A, %dma_start3A_24, %dma_start3A_25] : memref<32x32x128xi32, #tpu.memory_space<hbm>> -> memref<1x32x128xi32, #tpu.memory_space<hbm>>
      %dma_start3A_27 = tpu.memref_squeeze %dma_start3A_26 : memref<1x32x128xi32, #tpu.memory_space<hbm>> -> memref<32x128xi32, #tpu.memory_space<hbm>>
      tpu.enqueue_dma source(%dma_start3A_27 : memref<32x128xi32, #tpu.memory_space<hbm>>) target(%arg5 : memref<32x128xi32, #tpu.memory_space<vmem>>) target_semaphore(%run_scoped3A : memref<!tpu.dma_semaphore, #tpu.memory_space<semaphore_mem>>)
      %dma_wait3A = arith.constant 0 : i32
      %dma_wait3A_28 = arith.constant 0 : i32
      %dma_wait3A_29 = tpu.memref_slice %arg3[%add3A, %dma_wait3A, %dma_wait3A_28] : memref<32x32x128xi32, #tpu.memory_space<hbm>> -> memref<1x32x128xi32, #tpu.memory_space<hbm>>
      %dma_wait3A_30 = tpu.memref_squeeze %dma_wait3A_29 : memref<1x32x128xi32, #tpu.memory_space<hbm>> -> memref<32x128xi32, #tpu.memory_space<hbm>>
      %dma_wait3A_31 = arith.constant 0 : i32
      %dma_wait3A_32 = arith.constant 0 : i32
      %dma_wait3A_33 = tpu.memref_slice %arg3[%add3A, %dma_wait3A_31, %dma_wait3A_32] : memref<32x32x128xi32, #tpu.memory_space<hbm>> -> memref<1x32x128xi32, #tpu.memory_space<hbm>>
      %dma_wait3A_34 = tpu.memref_squeeze %dma_wait3A_33 : memref<1x32x128xi32, #tpu.memory_space<hbm>> -> memref<32x128xi32, #tpu.memory_space<hbm>>
      tpu.wait_dma2 semaphore(%run_scoped3A : memref<!tpu.dma_semaphore, #tpu.memory_space<semaphore_mem>>) src(%dma_wait3A_34 : memref<32x128xi32, #tpu.memory_space<hbm>>) dst(%arg5 : memref<32x128xi32, #tpu.memory_space<vmem>>)
      tpu.yield
    }) : () -> ()
    %mul3A_1 = arith.constant 512 : i32
    %mul3A_2 = arith.muli %add3A, %mul3A_1 : i32
    %broadcast_in_dim3A = arith.constant 0 : i32
    %broadcast_in_dim3A_3 = vector.broadcast %broadcast_in_dim3A : i32 to vector<16xi32>
    %dma_start3A = arith.constant 0 : i32
    %dma_start3A_4 = arith.constant 0 : i32
    %dma_start3A_5 = tpu.memref_slice %arg5[%dma_start3A, %dma_start3A_4] : memref<32x128xi32, #tpu.memory_space<vmem>> -> memref<1x128xi32, #tpu.memory_space<vmem>>
    %dma_start3A_6 = tpu.memref_squeeze %dma_start3A_5 : memref<1x128xi32, #tpu.memory_space<vmem>> -> memref<128xi32, #tpu.memory_space<vmem>>
    %dma_start3A_7 = arith.constant 0 : i32
    %dma_start3A_8 = arith.constant 0 : i32
    %dma_start3A_9 = tpu.memref_slice %arg2[%dma_start3A_7, %dma_start3A_8] : memref<1000000x128xf32, #tpu.memory_space<hbm>> -> memref<1000000x128xf32, #tpu.memory_space<hbm>>
    tpu.enqueue_indirect_dma source(%dma_start3A_9 : memref<1000000x128xf32, #tpu.memory_space<hbm>>) target(%arg6 : memref<128x128xf32, #tpu.memory_space<vmem>>) offsets(%dma_start3A_6 : memref<128xi32, #tpu.memory_space<vmem>>) semaphore(%arg9 : memref<!tpu.dma_semaphore, #tpu.memory_space<semaphore_mem>>)
    %while3A = arith.constant 0 : i32
    %while3A_10 = arith.constant 0 : i32
    %while3A_11 = arith.constant 16 : i32
    %while3A_12 = arith.subi %while3A_11, %while3A_10 : i32
    %while3A_13 = arith.addi %while3A_10, %while3A_12 : i32
    %while3A_14 = arith.constant 1 : i32
    %while3A_15 = arith.divsi %while3A_12, %while3A_14 : i32
    %while3A_16 = arith.muli %while3A_15, %while3A_14 : i32
    %while3A_17 = arith.addi %while3A_10, %while3A_16 : i32
    %while3A_18 = arith.constant 1 : i32
    scf.for %while3A_20 = %while3A_10 to %while3A_17 step %while3A_18  : i32 {
      %mul3A_21 = arith.constant 2 : i32
      %mul3A_22 = arith.muli %while3A_20, %mul3A_21 : i32
      %add3A_23 = arith.constant 1 : i32
      %add3A_24 = arith.addi %mul3A_22, %add3A_23 : i32
      %dma_wait3A = arith.constant 0 : i32
      %dma_wait3A_25 = tpu.memref_slice %arg5[%mul3A_22, %dma_wait3A] : memref<32x128xi32, #tpu.memory_space<vmem>> -> memref<1x128xi32, #tpu.memory_space<vmem>>
      %dma_wait3A_26 = tpu.memref_squeeze %dma_wait3A_25 : memref<1x128xi32, #tpu.memory_space<vmem>> -> memref<128xi32, #tpu.memory_space<vmem>>
      %dma_wait3A_27 = arith.constant 0 : i32
      %dma_wait3A_28 = arith.constant 0 : i32
      %dma_wait3A_29 = tpu.memref_slice %arg2[%dma_wait3A_27, %dma_wait3A_28] : memref<1000000x128xf32, #tpu.memory_space<hbm>> -> memref<1000000x128xf32, #tpu.memory_space<hbm>>
      tpu.wait_indirect_dma semaphore(%arg9 : memref<!tpu.dma_semaphore, #tpu.memory_space<semaphore_mem>>) src(%dma_wait3A_29 : memref<1000000x128xf32, #tpu.memory_space<hbm>>) dst(%arg6 : memref<128x128xf32, #tpu.memory_space<vmem>>)
      %dma_start3A_30 = arith.constant 0 : i32
      %dma_start3A_31 = tpu.memref_slice %arg5[%add3A_24, %dma_start3A_30] : memref<32x128xi32, #tpu.memory_space<vmem>> -> memref<1x128xi32, #tpu.memory_space<vmem>>
      %dma_start3A_32 = tpu.memref_squeeze %dma_start3A_31 : memref<1x128xi32, #tpu.memory_space<vmem>> -> memref<128xi32, #tpu.memory_space<vmem>>
      %dma_start3A_33 = arith.constant 0 : i32
      %dma_start3A_34 = arith.constant 0 : i32
      %dma_start3A_35 = tpu.memref_slice %arg2[%dma_start3A_33, %dma_start3A_34] : memref<1000000x128xf32, #tpu.memory_space<hbm>> -> memref<1000000x128xf32, #tpu.memory_space<hbm>>
      tpu.enqueue_indirect_dma source(%dma_start3A_35 : memref<1000000x128xf32, #tpu.memory_space<hbm>>) target(%arg7 : memref<128x128xf32, #tpu.memory_space<vmem>>) offsets(%dma_start3A_32 : memref<128xi32, #tpu.memory_space<vmem>>) semaphore(%arg10 : memref<!tpu.dma_semaphore, #tpu.memory_space<semaphore_mem>>)
      %div3A = arith.constant 8 : i32
      %div3A_36 = arith.divsi %mul3A_22, %div3A : i32
      %mul3A_37 = arith.constant 8 : i32
      %mul3A_38 = arith.muli %div3A_36, %mul3A_37 : i32
      %sub3A = arith.subi %mul3A_22, %mul3A_38 : i32
      %mul3A_39 = arith.constant 16 : i32
      %mul3A_40 = arith.muli %sub3A, %mul3A_39 : i32
      %while3A_41 = arith.constant 0 : i32
      %while3A_42 = arith.constant 0 : i32
      %while3A_43 = arith.constant 8 : i32
      %while3A_44 = arith.subi %while3A_43, %while3A_42 : i32
      %while3A_45 = arith.addi %while3A_42, %while3A_44 : i32
      %while3A_46 = arith.constant 1 : i32
      %while3A_47 = arith.divsi %while3A_44, %while3A_46 : i32
      %while3A_48 = arith.muli %while3A_47, %while3A_46 : i32
      %while3A_49 = arith.addi %while3A_42, %while3A_48 : i32
      %while3A_50 = arith.constant 1 : i32
      scf.for %while3A_83 = %while3A_42 to %while3A_49 step %while3A_50  : i32 {
        %mul3A_84 = arith.constant 16 : i32
        %mul3A_85 = arith.muli %while3A_83, %mul3A_84 : i32
        %iota3A = tpu.iota {dimensions = array<i32: 0>} : vector<16xi32>
        %add3A_86 = vector.broadcast %mul3A_85 : i32 to vector<16xi32>
        %add3A_87 = arith.addi %add3A_86, %iota3A : vector<16xi32>
        %add3A_88 = arith.constant 0 : i32
        %add3A_89 = arith.addi %mul3A_40, %add3A_88 : i32
        %add3A_90 = vector.broadcast %add3A_89 : i32 to vector<16xi32>
        %add3A_91 = arith.addi %add3A_90, %broadcast_in_dim3A_3 : vector<16xi32>
        %gather3A = tpu.vector_load_idx %arg6[%add3A_87, %add3A_91] : memref<128x128xf32, #tpu.memory_space<vmem>>[vector<16xi32>, vector<16xi32>], vector<16xf32>,
        tpu.vector_store_idx %arg8[%add3A_87, %add3A_91], %gather3A : memref<128x128xf32, #tpu.memory_space<vmem>>[vector<16xi32>, vector<16xi32>], vector<16xf32>,
        %add3A_92 = arith.constant 1 : i32
        %add3A_93 = arith.addi %mul3A_40, %add3A_92 : i32
        %add3A_94 = vector.broadcast %add3A_93 : i32 to vector<16xi32>
        %add3A_95 = arith.addi %add3A_94, %broadcast_in_dim3A_3 : vector<16xi32>
        %gather3A_96 = tpu.vector_load_idx %arg6[%add3A_87, %add3A_95] : memref<128x128xf32, #tpu.memory_space<vmem>>[vector<16xi32>, vector<16xi32>], vector<16xf32>,
        tpu.vector_store_idx %arg8[%add3A_87, %add3A_95], %gather3A_96 : memref<128x128xf32, #tpu.memory_space<vmem>>[vector<16xi32>, vector<16xi32>], vector<16xf32>,
        %add3A_97 = arith.constant 2 : i32
        %add3A_98 = arith.addi %mul3A_40, %add3A_97 : i32
        %add3A_99 = vector.broadcast %add3A_98 : i32 to vector<16xi32>
        %add3A_100 = arith.addi %add3A_99, %broadcast_in_dim3A_3 : vector<16xi32>
        %gather3A_101 = tpu.vector_load_idx %arg6[%add3A_87, %add3A_100] : memref<128x128xf32, #tpu.memory_space<vmem>>[vector<16xi32>, vector<16xi32>], vector<16xf32>,
        tpu.vector_store_idx %arg8[%add3A_87, %add3A_100], %gather3A_101 : memref<128x128xf32, #tpu.memory_space<vmem>>[vector<16xi32>, vector<16xi32>], vector<16xf32>,
        %add3A_102 = arith.constant 3 : i32
        %add3A_103 = arith.addi %mul3A_40, %add3A_102 : i32
        %add3A_104 = vector.broadcast %add3A_103 : i32 to vector<16xi32>
        %add3A_105 = arith.addi %add3A_104, %broadcast_in_dim3A_3 : vector<16xi32>
        %gather3A_106 = tpu.vector_load_idx %arg6[%add3A_87, %add3A_105] : memref<128x128xf32, #tpu.memory_space<vmem>>[vector<16xi32>, vector<16xi32>], vector<16xf32>,
        tpu.vector_store_idx %arg8[%add3A_87, %add3A_105], %gather3A_106 : memref<128x128xf32, #tpu.memory_space<vmem>>[vector<16xi32>, vector<16xi32>], vector<16xf32>,
        %add3A_107 = arith.constant 4 : i32
        %add3A_108 = arith.addi %mul3A_40, %add3A_107 : i32
        %add3A_109 = vector.broadcast %add3A_108 : i32 to vector<16xi32>
        %add3A_110 = arith.addi %add3A_109, %broadcast_in_dim3A_3 : vector<16xi32>
        %gather3A_111 = tpu.vector_load_idx %arg6[%add3A_87, %add3A_110] : memref<128x128xf32, #tpu.memory_space<vmem>>[vector<16xi32>, vector<16xi32>], vector<16xf32>,
        tpu.vector_store_idx %arg8[%add3A_87, %add3A_110], %gather3A_111 : memref<128x128xf32, #tpu.memory_space<vmem>>[vector<16xi32>, vector<16xi32>], vector<16xf32>,
        %add3A_112 = arith.constant 5 : i32
        %add3A_113 = arith.addi %mul3A_40, %add3A_112 : i32
        %add3A_114 = vector.broadcast %add3A_113 : i32 to vector<16xi32>
        %add3A_115 = arith.addi %add3A_114, %broadcast_in_dim3A_3 : vector<16xi32>
        %gather3A_116 = tpu.vector_load_idx %arg6[%add3A_87, %add3A_115] : memref<128x128xf32, #tpu.memory_space<vmem>>[vector<16xi32>, vector<16xi32>], vector<16xf32>,
        tpu.vector_store_idx %arg8[%add3A_87, %add3A_115], %gather3A_116 : memref<128x128xf32, #tpu.memory_space<vmem>>[vector<16xi32>, vector<16xi32>], vector<16xf32>,
        %add3A_117 = arith.constant 6 : i32
        %add3A_118 = arith.addi %mul3A_40, %add3A_117 : i32
        %add3A_119 = vector.broadcast %add3A_118 : i32 to vector<16xi32>
        %add3A_120 = arith.addi %add3A_119, %broadcast_in_dim3A_3 : vector<16xi32>
        %gather3A_121 = tpu.vector_load_idx %arg6[%add3A_87, %add3A_120] : memref<128x128xf32, #tpu.memory_space<vmem>>[vector<16xi32>, vector<16xi32>], vector<16xf32>,
        tpu.vector_store_idx %arg8[%add3A_87, %add3A_120], %gather3A_121 : memref<128x128xf32, #tpu.memory_space<vmem>>[vector<16xi32>, vector<16xi32>], vector<16xf32>,
        %add3A_122 = arith.constant 7 : i32
        %add3A_123 = arith.addi %mul3A_40, %add3A_122 : i32
        %add3A_124 = vector.broadcast %add3A_123 : i32 to vector<16xi32>
        %add3A_125 = arith.addi %add3A_124, %broadcast_in_dim3A_3 : vector<16xi32>
        %gather3A_126 = tpu.vector_load_idx %arg6[%add3A_87, %add3A_125] : memref<128x128xf32, #tpu.memory_space<vmem>>[vector<16xi32>, vector<16xi32>], vector<16xf32>,
        tpu.vector_store_idx %arg8[%add3A_87, %add3A_125], %gather3A_126 : memref<128x128xf32, #tpu.memory_space<vmem>>[vector<16xi32>, vector<16xi32>], vector<16xf32>,
        %add3A_127 = arith.constant 8 : i32
        %add3A_128 = arith.addi %mul3A_40, %add3A_127 : i32
        %add3A_129 = vector.broadcast %add3A_128 : i32 to vector<16xi32>
        %add3A_130 = arith.addi %add3A_129, %broadcast_in_dim3A_3 : vector<16xi32>
        %gather3A_131 = tpu.vector_load_idx %arg6[%add3A_87, %add3A_130] : memref<128x128xf32, #tpu.memory_space<vmem>>[vector<16xi32>, vector<16xi32>], vector<16xf32>,
        tpu.vector_store_idx %arg8[%add3A_87, %add3A_130], %gather3A_131 : memref<128x128xf32, #tpu.memory_space<vmem>>[vector<16xi32>, vector<16xi32>], vector<16xf32>,
        %add3A_132 = arith.constant 9 : i32
        %add3A_133 = arith.addi %mul3A_40, %add3A_132 : i32
        %add3A_134 = vector.broadcast %add3A_133 : i32 to vector<16xi32>
        %add3A_135 = arith.addi %add3A_134, %broadcast_in_dim3A_3 : vector<16xi32>
        %gather3A_136 = tpu.vector_load_idx %arg6[%add3A_87, %add3A_135] : memref<128x128xf32, #tpu.memory_space<vmem>>[vector<16xi32>, vector<16xi32>], vector<16xf32>,
        tpu.vector_store_idx %arg8[%add3A_87, %add3A_135], %gather3A_136 : memref<128x128xf32, #tpu.memory_space<vmem>>[vector<16xi32>, vector<16xi32>], vector<16xf32>,
        %add3A_137 = arith.constant 10 : i32
        %add3A_138 = arith.addi %mul3A_40, %add3A_137 : i32
        %add3A_139 = vector.broadcast %add3A_138 : i32 to vector<16xi32>
        %add3A_140 = arith.addi %add3A_139, %broadcast_in_dim3A_3 : vector<16xi32>
        %gather3A_141 = tpu.vector_load_idx %arg6[%add3A_87, %add3A_140] : memref<128x128xf32, #tpu.memory_space<vmem>>[vector<16xi32>, vector<16xi32>], vector<16xf32>,
        tpu.vector_store_idx %arg8[%add3A_87, %add3A_140], %gather3A_141 : memref<128x128xf32, #tpu.memory_space<vmem>>[vector<16xi32>, vector<16xi32>], vector<16xf32>,
        %add3A_142 = arith.constant 11 : i32
        %add3A_143 = arith.addi %mul3A_40, %add3A_142 : i32
        %add3A_144 = vector.broadcast %add3A_143 : i32 to vector<16xi32>
        %add3A_145 = arith.addi %add3A_144, %broadcast_in_dim3A_3 : vector<16xi32>
        %gather3A_146 = tpu.vector_load_idx %arg6[%add3A_87, %add3A_145] : memref<128x128xf32, #tpu.memory_space<vmem>>[vector<16xi32>, vector<16xi32>], vector<16xf32>,
        tpu.vector_store_idx %arg8[%add3A_87, %add3A_145], %gather3A_146 : memref<128x128xf32, #tpu.memory_space<vmem>>[vector<16xi32>, vector<16xi32>], vector<16xf32>,
        %add3A_147 = arith.constant 12 : i32
        %add3A_148 = arith.addi %mul3A_40, %add3A_147 : i32
        %add3A_149 = vector.broadcast %add3A_148 : i32 to vector<16xi32>
        %add3A_150 = arith.addi %add3A_149, %broadcast_in_dim3A_3 : vector<16xi32>
        %gather3A_151 = tpu.vector_load_idx %arg6[%add3A_87, %add3A_150] : memref<128x128xf32, #tpu.memory_space<vmem>>[vector<16xi32>, vector<16xi32>], vector<16xf32>,
        tpu.vector_store_idx %arg8[%add3A_87, %add3A_150], %gather3A_151 : memref<128x128xf32, #tpu.memory_space<vmem>>[vector<16xi32>, vector<16xi32>], vector<16xf32>,
        %add3A_152 = arith.constant 13 : i32
        %add3A_153 = arith.addi %mul3A_40, %add3A_152 : i32
        %add3A_154 = vector.broadcast %add3A_153 : i32 to vector<16xi32>
        %add3A_155 = arith.addi %add3A_154, %broadcast_in_dim3A_3 : vector<16xi32>
        %gather3A_156 = tpu.vector_load_idx %arg6[%add3A_87, %add3A_155] : memref<128x128xf32, #tpu.memory_space<vmem>>[vector<16xi32>, vector<16xi32>], vector<16xf32>,
        tpu.vector_store_idx %arg8[%add3A_87, %add3A_155], %gather3A_156 : memref<128x128xf32, #tpu.memory_space<vmem>>[vector<16xi32>, vector<16xi32>], vector<16xf32>,
        %add3A_157 = arith.constant 14 : i32
        %add3A_158 = arith.addi %mul3A_40, %add3A_157 : i32
        %add3A_159 = vector.broadcast %add3A_158 : i32 to vector<16xi32>
        %add3A_160 = arith.addi %add3A_159, %broadcast_in_dim3A_3 : vector<16xi32>
        %gather3A_161 = tpu.vector_load_idx %arg6[%add3A_87, %add3A_160] : memref<128x128xf32, #tpu.memory_space<vmem>>[vector<16xi32>, vector<16xi32>], vector<16xf32>,
        tpu.vector_store_idx %arg8[%add3A_87, %add3A_160], %gather3A_161 : memref<128x128xf32, #tpu.memory_space<vmem>>[vector<16xi32>, vector<16xi32>], vector<16xf32>,
        %add3A_162 = arith.constant 15 : i32
        %add3A_163 = arith.addi %mul3A_40, %add3A_162 : i32
        %add3A_164 = vector.broadcast %add3A_163 : i32 to vector<16xi32>
        %add3A_165 = arith.addi %add3A_164, %broadcast_in_dim3A_3 : vector<16xi32>
        %gather3A_166 = tpu.vector_load_idx %arg6[%add3A_87, %add3A_165] : memref<128x128xf32, #tpu.memory_space<vmem>>[vector<16xi32>, vector<16xi32>], vector<16xf32>,
        tpu.vector_store_idx %arg8[%add3A_87, %add3A_165], %gather3A_166 : memref<128x128xf32, #tpu.memory_space<vmem>>[vector<16xi32>, vector<16xi32>], vector<16xf32>,
      }
      %while3A_51 = arith.constant 1 : i32
      scf.for %while3A_83 = %while3A_49 to %while3A_45 step %while3A_51  : i32 {
        %mul3A_84 = arith.constant 16 : i32
        %mul3A_85 = arith.muli %while3A_83, %mul3A_84 : i32
        %iota3A = tpu.iota {dimensions = array<i32: 0>} : vector<16xi32>
        %add3A_86 = vector.broadcast %mul3A_85 : i32 to vector<16xi32>
        %add3A_87 = arith.addi %add3A_86, %iota3A : vector<16xi32>
        %add3A_88 = arith.constant 0 : i32
        %add3A_89 = arith.addi %mul3A_40, %add3A_88 : i32
        %add3A_90 = vector.broadcast %add3A_89 : i32 to vector<16xi32>
        %add3A_91 = arith.addi %add3A_90, %broadcast_in_dim3A_3 : vector<16xi32>
        %gather3A = tpu.vector_load_idx %arg6[%add3A_87, %add3A_91] : memref<128x128xf32, #tpu.memory_space<vmem>>[vector<16xi32>, vector<16xi32>], vector<16xf32>,
        tpu.vector_store_idx %arg8[%add3A_87, %add3A_91], %gather3A : memref<128x128xf32, #tpu.memory_space<vmem>>[vector<16xi32>, vector<16xi32>], vector<16xf32>,
        %add3A_92 = arith.constant 1 : i32
        %add3A_93 = arith.addi %mul3A_40, %add3A_92 : i32
        %add3A_94 = vector.broadcast %add3A_93 : i32 to vector<16xi32>
        %add3A_95 = arith.addi %add3A_94, %broadcast_in_dim3A_3 : vector<16xi32>
        %gather3A_96 = tpu.vector_load_idx %arg6[%add3A_87, %add3A_95] : memref<128x128xf32, #tpu.memory_space<vmem>>[vector<16xi32>, vector<16xi32>], vector<16xf32>,
        tpu.vector_store_idx %arg8[%add3A_87, %add3A_95], %gather3A_96 : memref<128x128xf32, #tpu.memory_space<vmem>>[vector<16xi32>, vector<16xi32>], vector<16xf32>,
        %add3A_97 = arith.constant 2 : i32
        %add3A_98 = arith.addi %mul3A_40, %add3A_97 : i32
        %add3A_99 = vector.broadcast %add3A_98 : i32 to vector<16xi32>
        %add3A_100 = arith.addi %add3A_99, %broadcast_in_dim3A_3 : vector<16xi32>
        %gather3A_101 = tpu.vector_load_idx %arg6[%add3A_87, %add3A_100] : memref<128x128xf32, #tpu.memory_space<vmem>>[vector<16xi32>, vector<16xi32>], vector<16xf32>,
        tpu.vector_store_idx %arg8[%add3A_87, %add3A_100], %gather3A_101 : memref<128x128xf32, #tpu.memory_space<vmem>>[vector<16xi32>, vector<16xi32>], vector<16xf32>,
        %add3A_102 = arith.constant 3 : i32
        %add3A_103 = arith.addi %mul3A_40, %add3A_102 : i32
        %add3A_104 = vector.broadcast %add3A_103 : i32 to vector<16xi32>
        %add3A_105 = arith.addi %add3A_104, %broadcast_in_dim3A_3 : vector<16xi32>
        %gather3A_106 = tpu.vector_load_idx %arg6[%add3A_87, %add3A_105] : memref<128x128xf32, #tpu.memory_space<vmem>>[vector<16xi32>, vector<16xi32>], vector<16xf32>,
        tpu.vector_store_idx %arg8[%add3A_87, %add3A_105], %gather3A_106 : memref<128x128xf32, #tpu.memory_space<vmem>>[vector<16xi32>, vector<16xi32>], vector<16xf32>,
        %add3A_107 = arith.constant 4 : i32
        %add3A_108 = arith.addi %mul3A_40, %add3A_107 : i32
        %add3A_109 = vector.broadcast %add3A_108 : i32 to vector<16xi32>
        %add3A_110 = arith.addi %add3A_109, %broadcast_in_dim3A_3 : vector<16xi32>
        %gather3A_111 = tpu.vector_load_idx %arg6[%add3A_87, %add3A_110] : memref<128x128xf32, #tpu.memory_space<vmem>>[vector<16xi32>, vector<16xi32>], vector<16xf32>,
        tpu.vector_store_idx %arg8[%add3A_87, %add3A_110], %gather3A_111 : memref<128x128xf32, #tpu.memory_space<vmem>>[vector<16xi32>, vector<16xi32>], vector<16xf32>,
        %add3A_112 = arith.constant 5 : i32
        %add3A_113 = arith.addi %mul3A_40, %add3A_112 : i32
        %add3A_114 = vector.broadcast %add3A_113 : i32 to vector<16xi32>
        %add3A_115 = arith.addi %add3A_114, %broadcast_in_dim3A_3 : vector<16xi32>
        %gather3A_116 = tpu.vector_load_idx %arg6[%add3A_87, %add3A_115] : memref<128x128xf32, #tpu.memory_space<vmem>>[vector<16xi32>, vector<16xi32>], vector<16xf32>,
        tpu.vector_store_idx %arg8[%add3A_87, %add3A_115], %gather3A_116 : memref<128x128xf32, #tpu.memory_space<vmem>>[vector<16xi32>, vector<16xi32>], vector<16xf32>,
        %add3A_117 = arith.constant 6 : i32
        %add3A_118 = arith.addi %mul3A_40, %add3A_117 : i32
        %add3A_119 = vector.broadcast %add3A_118 : i32 to vector<16xi32>
        %add3A_120 = arith.addi %add3A_119, %broadcast_in_dim3A_3 : vector<16xi32>
        %gather3A_121 = tpu.vector_load_idx %arg6[%add3A_87, %add3A_120] : memref<128x128xf32, #tpu.memory_space<vmem>>[vector<16xi32>, vector<16xi32>], vector<16xf32>,
        tpu.vector_store_idx %arg8[%add3A_87, %add3A_120], %gather3A_121 : memref<128x128xf32, #tpu.memory_space<vmem>>[vector<16xi32>, vector<16xi32>], vector<16xf32>,
        %add3A_122 = arith.constant 7 : i32
        %add3A_123 = arith.addi %mul3A_40, %add3A_122 : i32
        %add3A_124 = vector.broadcast %add3A_123 : i32 to vector<16xi32>
        %add3A_125 = arith.addi %add3A_124, %broadcast_in_dim3A_3 : vector<16xi32>
        %gather3A_126 = tpu.vector_load_idx %arg6[%add3A_87, %add3A_125] : memref<128x128xf32, #tpu.memory_space<vmem>>[vector<16xi32>, vector<16xi32>], vector<16xf32>,
        tpu.vector_store_idx %arg8[%add3A_87, %add3A_125], %gather3A_126 : memref<128x128xf32, #tpu.memory_space<vmem>>[vector<16xi32>, vector<16xi32>], vector<16xf32>,
        %add3A_127 = arith.constant 8 : i32
        %add3A_128 = arith.addi %mul3A_40, %add3A_127 : i32
        %add3A_129 = vector.broadcast %add3A_128 : i32 to vector<16xi32>
        %add3A_130 = arith.addi %add3A_129, %broadcast_in_dim3A_3 : vector<16xi32>
        %gather3A_131 = tpu.vector_load_idx %arg6[%add3A_87, %add3A_130] : memref<128x128xf32, #tpu.memory_space<vmem>>[vector<16xi32>, vector<16xi32>], vector<16xf32>,
        tpu.vector_store_idx %arg8[%add3A_87, %add3A_130], %gather3A_131 : memref<128x128xf32, #tpu.memory_space<vmem>>[vector<16xi32>, vector<16xi32>], vector<16xf32>,
        %add3A_132 = arith.constant 9 : i32
        %add3A_133 = arith.addi %mul3A_40, %add3A_132 : i32
        %add3A_134 = vector.broadcast %add3A_133 : i32 to vector<16xi32>
        %add3A_135 = arith.addi %add3A_134, %broadcast_in_dim3A_3 : vector<16xi32>
        %gather3A_136 = tpu.vector_load_idx %arg6[%add3A_87, %add3A_135] : memref<128x128xf32, #tpu.memory_space<vmem>>[vector<16xi32>, vector<16xi32>], vector<16xf32>,
        tpu.vector_store_idx %arg8[%add3A_87, %add3A_135], %gather3A_136 : memref<128x128xf32, #tpu.memory_space<vmem>>[vector<16xi32>, vector<16xi32>], vector<16xf32>,
        %add3A_137 = arith.constant 10 : i32
        %add3A_138 = arith.addi %mul3A_40, %add3A_137 : i32
        %add3A_139 = vector.broadcast %add3A_138 : i32 to vector<16xi32>
        %add3A_140 = arith.addi %add3A_139, %broadcast_in_dim3A_3 : vector<16xi32>
        %gather3A_141 = tpu.vector_load_idx %arg6[%add3A_87, %add3A_140] : memref<128x128xf32, #tpu.memory_space<vmem>>[vector<16xi32>, vector<16xi32>], vector<16xf32>,
        tpu.vector_store_idx %arg8[%add3A_87, %add3A_140], %gather3A_141 : memref<128x128xf32, #tpu.memory_space<vmem>>[vector<16xi32>, vector<16xi32>], vector<16xf32>,
        %add3A_142 = arith.constant 11 : i32
        %add3A_143 = arith.addi %mul3A_40, %add3A_142 : i32
        %add3A_144 = vector.broadcast %add3A_143 : i32 to vector<16xi32>
        %add3A_145 = arith.addi %add3A_144, %broadcast_in_dim3A_3 : vector<16xi32>
        %gather3A_146 = tpu.vector_load_idx %arg6[%add3A_87, %add3A_145] : memref<128x128xf32, #tpu.memory_space<vmem>>[vector<16xi32>, vector<16xi32>], vector<16xf32>,
        tpu.vector_store_idx %arg8[%add3A_87, %add3A_145], %gather3A_146 : memref<128x128xf32, #tpu.memory_space<vmem>>[vector<16xi32>, vector<16xi32>], vector<16xf32>,
        %add3A_147 = arith.constant 12 : i32
        %add3A_148 = arith.addi %mul3A_40, %add3A_147 : i32
        %add3A_149 = vector.broadcast %add3A_148 : i32 to vector<16xi32>
        %add3A_150 = arith.addi %add3A_149, %broadcast_in_dim3A_3 : vector<16xi32>
        %gather3A_151 = tpu.vector_load_idx %arg6[%add3A_87, %add3A_150] : memref<128x128xf32, #tpu.memory_space<vmem>>[vector<16xi32>, vector<16xi32>], vector<16xf32>,
        tpu.vector_store_idx %arg8[%add3A_87, %add3A_150], %gather3A_151 : memref<128x128xf32, #tpu.memory_space<vmem>>[vector<16xi32>, vector<16xi32>], vector<16xf32>,
        %add3A_152 = arith.constant 13 : i32
        %add3A_153 = arith.addi %mul3A_40, %add3A_152 : i32
        %add3A_154 = vector.broadcast %add3A_153 : i32 to vector<16xi32>
        %add3A_155 = arith.addi %add3A_154, %broadcast_in_dim3A_3 : vector<16xi32>
        %gather3A_156 = tpu.vector_load_idx %arg6[%add3A_87, %add3A_155] : memref<128x128xf32, #tpu.memory_space<vmem>>[vector<16xi32>, vector<16xi32>], vector<16xf32>,
        tpu.vector_store_idx %arg8[%add3A_87, %add3A_155], %gather3A_156 : memref<128x128xf32, #tpu.memory_space<vmem>>[vector<16xi32>, vector<16xi32>], vector<16xf32>,
        %add3A_157 = arith.constant 14 : i32
        %add3A_158 = arith.addi %mul3A_40, %add3A_157 : i32
        %add3A_159 = vector.broadcast %add3A_158 : i32 to vector<16xi32>
        %add3A_160 = arith.addi %add3A_159, %broadcast_in_dim3A_3 : vector<16xi32>
        %gather3A_161 = tpu.vector_load_idx %arg6[%add3A_87, %add3A_160] : memref<128x128xf32, #tpu.memory_space<vmem>>[vector<16xi32>, vector<16xi32>], vector<16xf32>,
        tpu.vector_store_idx %arg8[%add3A_87, %add3A_160], %gather3A_161 : memref<128x128xf32, #tpu.memory_space<vmem>>[vector<16xi32>, vector<16xi32>], vector<16xf32>,
        %add3A_162 = arith.constant 15 : i32
        %add3A_163 = arith.addi %mul3A_40, %add3A_162 : i32
        %add3A_164 = vector.broadcast %add3A_163 : i32 to vector<16xi32>
        %add3A_165 = arith.addi %add3A_164, %broadcast_in_dim3A_3 : vector<16xi32>
        %gather3A_166 = tpu.vector_load_idx %arg6[%add3A_87, %add3A_165] : memref<128x128xf32, #tpu.memory_space<vmem>>[vector<16xi32>, vector<16xi32>], vector<16xf32>,
        tpu.vector_store_idx %arg8[%add3A_87, %add3A_165], %gather3A_166 : memref<128x128xf32, #tpu.memory_space<vmem>>[vector<16xi32>, vector<16xi32>], vector<16xf32>,
      }
      %dma_wait3A_52 = arith.constant 0 : i32
      %dma_wait3A_53 = tpu.memref_slice %arg5[%add3A_24, %dma_wait3A_52] : memref<32x128xi32, #tpu.memory_space<vmem>> -> memref<1x128xi32, #tpu.memory_space<vmem>>
      %dma_wait3A_54 = tpu.memref_squeeze %dma_wait3A_53 : memref<1x128xi32, #tpu.memory_space<vmem>> -> memref<128xi32, #tpu.memory_space<vmem>>
      %dma_wait3A_55 = arith.constant 0 : i32
      %dma_wait3A_56 = arith.constant 0 : i32
      %dma_wait3A_57 = tpu.memref_slice %arg2[%dma_wait3A_55, %dma_wait3A_56] : memref<1000000x128xf32, #tpu.memory_space<hbm>> -> memref<1000000x128xf32, #tpu.memory_space<hbm>>
      tpu.wait_indirect_dma semaphore(%arg10 : memref<!tpu.dma_semaphore, #tpu.memory_space<semaphore_mem>>) src(%dma_wait3A_57 : memref<1000000x128xf32, #tpu.memory_space<hbm>>) dst(%arg7 : memref<128x128xf32, #tpu.memory_space<vmem>>)
      %lt3A = arith.constant 31 : i32
      %lt3A_58 = arith.cmpi slt, %add3A_24, %lt3A : i32
      %convert_element_type3A = arith.extui %lt3A_58 : i1 to i32
      %cond3A = arith.constant 0 : i32
      %cond3A_59 = arith.cmpi ne, %convert_element_type3A, %cond3A : i32
      scf.if %cond3A_59 {
        %add3A_83 = arith.constant 1 : i32
        %add3A_84 = arith.addi %add3A_24, %add3A_83 : i32
        %dma_start3A_85 = arith.constant 0 : i32
        %dma_start3A_86 = tpu.memref_slice %arg5[%add3A_84, %dma_start3A_85] : memref<32x128xi32, #tpu.memory_space<vmem>> -> memref<1x128xi32, #tpu.memory_space<vmem>>
        %dma_start3A_87 = tpu.memref_squeeze %dma_start3A_86 : memref<1x128xi32, #tpu.memory_space<vmem>> -> memref<128xi32, #tpu.memory_space<vmem>>
        %dma_start3A_88 = arith.constant 0 : i32
        %dma_start3A_89 = arith.constant 0 : i32
        %dma_start3A_90 = tpu.memref_slice %arg2[%dma_start3A_88, %dma_start3A_89] : memref<1000000x128xf32, #tpu.memory_space<hbm>> -> memref<1000000x128xf32, #tpu.memory_space<hbm>>
        tpu.enqueue_indirect_dma source(%dma_start3A_90 : memref<1000000x128xf32, #tpu.memory_space<hbm>>) target(%arg6 : memref<128x128xf32, #tpu.memory_space<vmem>>) offsets(%dma_start3A_87 : memref<128xi32, #tpu.memory_space<vmem>>) semaphore(%arg9 : memref<!tpu.dma_semaphore, #tpu.memory_space<semaphore_mem>>)
      } else {
      }
      %div3A_60 = arith.constant 8 : i32
      %div3A_61 = arith.divsi %add3A_24, %div3A_60 : i32
      %mul3A_62 = arith.constant 8 : i32
      %mul3A_63 = arith.muli %div3A_61, %mul3A_62 : i32
      %sub3A_64 = arith.subi %add3A_24, %mul3A_63 : i32
      %mul3A_65 = arith.constant 16 : i32
      %mul3A_66 = arith.muli %sub3A_64, %mul3A_65 : i32
      %while3A_67 = arith.constant 0 : i32
      %while3A_68 = arith.constant 0 : i32
      %while3A_69 = arith.constant 8 : i32
      %while3A_70 = arith.subi %while3A_69, %while3A_68 : i32
      %while3A_71 = arith.addi %while3A_68, %while3A_70 : i32
      %while3A_72 = arith.constant 1 : i32
      %while3A_73 = arith.divsi %while3A_70, %while3A_72 : i32
      %while3A_74 = arith.muli %while3A_73, %while3A_72 : i32
      %while3A_75 = arith.addi %while3A_68, %while3A_74 : i32
      %while3A_76 = arith.constant 1 : i32
      scf.for %while3A_83 = %while3A_68 to %while3A_75 step %while3A_76  : i32 {
        %mul3A_84 = arith.constant 16 : i32
        %mul3A_85 = arith.muli %while3A_83, %mul3A_84 : i32
        %iota3A = tpu.iota {dimensions = array<i32: 0>} : vector<16xi32>
        %add3A_86 = vector.broadcast %mul3A_85 : i32 to vector<16xi32>
        %add3A_87 = arith.addi %add3A_86, %iota3A : vector<16xi32>
        %add3A_88 = arith.constant 0 : i32
        %add3A_89 = arith.addi %mul3A_66, %add3A_88 : i32
        %add3A_90 = vector.broadcast %add3A_89 : i32 to vector<16xi32>
        %add3A_91 = arith.addi %add3A_90, %broadcast_in_dim3A_3 : vector<16xi32>
        %gather3A = tpu.vector_load_idx %arg7[%add3A_87, %add3A_91] : memref<128x128xf32, #tpu.memory_space<vmem>>[vector<16xi32>, vector<16xi32>], vector<16xf32>,
        tpu.vector_store_idx %arg8[%add3A_87, %add3A_91], %gather3A : memref<128x128xf32, #tpu.memory_space<vmem>>[vector<16xi32>, vector<16xi32>], vector<16xf32>,
        %add3A_92 = arith.constant 1 : i32
        %add3A_93 = arith.addi %mul3A_66, %add3A_92 : i32
        %add3A_94 = vector.broadcast %add3A_93 : i32 to vector<16xi32>
        %add3A_95 = arith.addi %add3A_94, %broadcast_in_dim3A_3 : vector<16xi32>
        %gather3A_96 = tpu.vector_load_idx %arg7[%add3A_87, %add3A_95] : memref<128x128xf32, #tpu.memory_space<vmem>>[vector<16xi32>, vector<16xi32>], vector<16xf32>,
        tpu.vector_store_idx %arg8[%add3A_87, %add3A_95], %gather3A_96 : memref<128x128xf32, #tpu.memory_space<vmem>>[vector<16xi32>, vector<16xi32>], vector<16xf32>,
        %add3A_97 = arith.constant 2 : i32
        %add3A_98 = arith.addi %mul3A_66, %add3A_97 : i32
        %add3A_99 = vector.broadcast %add3A_98 : i32 to vector<16xi32>
        %add3A_100 = arith.addi %add3A_99, %broadcast_in_dim3A_3 : vector<16xi32>
        %gather3A_101 = tpu.vector_load_idx %arg7[%add3A_87, %add3A_100] : memref<128x128xf32, #tpu.memory_space<vmem>>[vector<16xi32>, vector<16xi32>], vector<16xf32>,
        tpu.vector_store_idx %arg8[%add3A_87, %add3A_100], %gather3A_101 : memref<128x128xf32, #tpu.memory_space<vmem>>[vector<16xi32>, vector<16xi32>], vector<16xf32>,
        %add3A_102 = arith.constant 3 : i32
        %add3A_103 = arith.addi %mul3A_66, %add3A_102 : i32
        %add3A_104 = vector.broadcast %add3A_103 : i32 to vector<16xi32>
        %add3A_105 = arith.addi %add3A_104, %broadcast_in_dim3A_3 : vector<16xi32>
        %gather3A_106 = tpu.vector_load_idx %arg7[%add3A_87, %add3A_105] : memref<128x128xf32, #tpu.memory_space<vmem>>[vector<16xi32>, vector<16xi32>], vector<16xf32>,
        tpu.vector_store_idx %arg8[%add3A_87, %add3A_105], %gather3A_106 : memref<128x128xf32, #tpu.memory_space<vmem>>[vector<16xi32>, vector<16xi32>], vector<16xf32>,
        %add3A_107 = arith.constant 4 : i32
        %add3A_108 = arith.addi %mul3A_66, %add3A_107 : i32
        %add3A_109 = vector.broadcast %add3A_108 : i32 to vector<16xi32>
        %add3A_110 = arith.addi %add3A_109, %broadcast_in_dim3A_3 : vector<16xi32>
        %gather3A_111 = tpu.vector_load_idx %arg7[%add3A_87, %add3A_110] : memref<128x128xf32, #tpu.memory_space<vmem>>[vector<16xi32>, vector<16xi32>], vector<16xf32>,
        tpu.vector_store_idx %arg8[%add3A_87, %add3A_110], %gather3A_111 : memref<128x128xf32, #tpu.memory_space<vmem>>[vector<16xi32>, vector<16xi32>], vector<16xf32>,
        %add3A_112 = arith.constant 5 : i32
        %add3A_113 = arith.addi %mul3A_66, %add3A_112 : i32
        %add3A_114 = vector.broadcast %add3A_113 : i32 to vector<16xi32>
        %add3A_115 = arith.addi %add3A_114, %broadcast_in_dim3A_3 : vector<16xi32>
        %gather3A_116 = tpu.vector_load_idx %arg7[%add3A_87, %add3A_115] : memref<128x128xf32, #tpu.memory_space<vmem>>[vector<16xi32>, vector<16xi32>], vector<16xf32>,
        tpu.vector_store_idx %arg8[%add3A_87, %add3A_115], %gather3A_116 : memref<128x128xf32, #tpu.memory_space<vmem>>[vector<16xi32>, vector<16xi32>], vector<16xf32>,
        %add3A_117 = arith.constant 6 : i32
        %add3A_118 = arith.addi %mul3A_66, %add3A_117 : i32
        %add3A_119 = vector.broadcast %add3A_118 : i32 to vector<16xi32>
        %add3A_120 = arith.addi %add3A_119, %broadcast_in_dim3A_3 : vector<16xi32>
        %gather3A_121 = tpu.vector_load_idx %arg7[%add3A_87, %add3A_120] : memref<128x128xf32, #tpu.memory_space<vmem>>[vector<16xi32>, vector<16xi32>], vector<16xf32>,
        tpu.vector_store_idx %arg8[%add3A_87, %add3A_120], %gather3A_121 : memref<128x128xf32, #tpu.memory_space<vmem>>[vector<16xi32>, vector<16xi32>], vector<16xf32>,
        %add3A_122 = arith.constant 7 : i32
        %add3A_123 = arith.addi %mul3A_66, %add3A_122 : i32
        %add3A_124 = vector.broadcast %add3A_123 : i32 to vector<16xi32>
        %add3A_125 = arith.addi %add3A_124, %broadcast_in_dim3A_3 : vector<16xi32>
        %gather3A_126 = tpu.vector_load_idx %arg7[%add3A_87, %add3A_125] : memref<128x128xf32, #tpu.memory_space<vmem>>[vector<16xi32>, vector<16xi32>], vector<16xf32>,
        tpu.vector_store_idx %arg8[%add3A_87, %add3A_125], %gather3A_126 : memref<128x128xf32, #tpu.memory_space<vmem>>[vector<16xi32>, vector<16xi32>], vector<16xf32>,
        %add3A_127 = arith.constant 8 : i32
        %add3A_128 = arith.addi %mul3A_66, %add3A_127 : i32
        %add3A_129 = vector.broadcast %add3A_128 : i32 to vector<16xi32>
        %add3A_130 = arith.addi %add3A_129, %broadcast_in_dim3A_3 : vector<16xi32>
        %gather3A_131 = tpu.vector_load_idx %arg7[%add3A_87, %add3A_130] : memref<128x128xf32, #tpu.memory_space<vmem>>[vector<16xi32>, vector<16xi32>], vector<16xf32>,
        tpu.vector_store_idx %arg8[%add3A_87, %add3A_130], %gather3A_131 : memref<128x128xf32, #tpu.memory_space<vmem>>[vector<16xi32>, vector<16xi32>], vector<16xf32>,
        %add3A_132 = arith.constant 9 : i32
        %add3A_133 = arith.addi %mul3A_66, %add3A_132 : i32
        %add3A_134 = vector.broadcast %add3A_133 : i32 to vector<16xi32>
        %add3A_135 = arith.addi %add3A_134, %broadcast_in_dim3A_3 : vector<16xi32>
        %gather3A_136 = tpu.vector_load_idx %arg7[%add3A_87, %add3A_135] : memref<128x128xf32, #tpu.memory_space<vmem>>[vector<16xi32>, vector<16xi32>], vector<16xf32>,
        tpu.vector_store_idx %arg8[%add3A_87, %add3A_135], %gather3A_136 : memref<128x128xf32, #tpu.memory_space<vmem>>[vector<16xi32>, vector<16xi32>], vector<16xf32>,
        %add3A_137 = arith.constant 10 : i32
        %add3A_138 = arith.addi %mul3A_66, %add3A_137 : i32
        %add3A_139 = vector.broadcast %add3A_138 : i32 to vector<16xi32>
        %add3A_140 = arith.addi %add3A_139, %broadcast_in_dim3A_3 : vector<16xi32>
        %gather3A_141 = tpu.vector_load_idx %arg7[%add3A_87, %add3A_140] : memref<128x128xf32, #tpu.memory_space<vmem>>[vector<16xi32>, vector<16xi32>], vector<16xf32>,
        tpu.vector_store_idx %arg8[%add3A_87, %add3A_140], %gather3A_141 : memref<128x128xf32, #tpu.memory_space<vmem>>[vector<16xi32>, vector<16xi32>], vector<16xf32>,
        %add3A_142 = arith.constant 11 : i32
        %add3A_143 = arith.addi %mul3A_66, %add3A_142 : i32
        %add3A_144 = vector.broadcast %add3A_143 : i32 to vector<16xi32>
        %add3A_145 = arith.addi %add3A_144, %broadcast_in_dim3A_3 : vector<16xi32>
        %gather3A_146 = tpu.vector_load_idx %arg7[%add3A_87, %add3A_145] : memref<128x128xf32, #tpu.memory_space<vmem>>[vector<16xi32>, vector<16xi32>], vector<16xf32>,
        tpu.vector_store_idx %arg8[%add3A_87, %add3A_145], %gather3A_146 : memref<128x128xf32, #tpu.memory_space<vmem>>[vector<16xi32>, vector<16xi32>], vector<16xf32>,
        %add3A_147 = arith.constant 12 : i32
        %add3A_148 = arith.addi %mul3A_66, %add3A_147 : i32
        %add3A_149 = vector.broadcast %add3A_148 : i32 to vector<16xi32>
        %add3A_150 = arith.addi %add3A_149, %broadcast_in_dim3A_3 : vector<16xi32>
        %gather3A_151 = tpu.vector_load_idx %arg7[%add3A_87, %add3A_150] : memref<128x128xf32, #tpu.memory_space<vmem>>[vector<16xi32>, vector<16xi32>], vector<16xf32>,
        tpu.vector_store_idx %arg8[%add3A_87, %add3A_150], %gather3A_151 : memref<128x128xf32, #tpu.memory_space<vmem>>[vector<16xi32>, vector<16xi32>], vector<16xf32>,
        %add3A_152 = arith.constant 13 : i32
        %add3A_153 = arith.addi %mul3A_66, %add3A_152 : i32
        %add3A_154 = vector.broadcast %add3A_153 : i32 to vector<16xi32>
        %add3A_155 = arith.addi %add3A_154, %broadcast_in_dim3A_3 : vector<16xi32>
        %gather3A_156 = tpu.vector_load_idx %arg7[%add3A_87, %add3A_155] : memref<128x128xf32, #tpu.memory_space<vmem>>[vector<16xi32>, vector<16xi32>], vector<16xf32>,
        tpu.vector_store_idx %arg8[%add3A_87, %add3A_155], %gather3A_156 : memref<128x128xf32, #tpu.memory_space<vmem>>[vector<16xi32>, vector<16xi32>], vector<16xf32>,
        %add3A_157 = arith.constant 14 : i32
        %add3A_158 = arith.addi %mul3A_66, %add3A_157 : i32
        %add3A_159 = vector.broadcast %add3A_158 : i32 to vector<16xi32>
        %add3A_160 = arith.addi %add3A_159, %broadcast_in_dim3A_3 : vector<16xi32>
        %gather3A_161 = tpu.vector_load_idx %arg7[%add3A_87, %add3A_160] : memref<128x128xf32, #tpu.memory_space<vmem>>[vector<16xi32>, vector<16xi32>], vector<16xf32>,
        tpu.vector_store_idx %arg8[%add3A_87, %add3A_160], %gather3A_161 : memref<128x128xf32, #tpu.memory_space<vmem>>[vector<16xi32>, vector<16xi32>], vector<16xf32>,
        %add3A_162 = arith.constant 15 : i32
        %add3A_163 = arith.addi %mul3A_66, %add3A_162 : i32
        %add3A_164 = vector.broadcast %add3A_163 : i32 to vector<16xi32>
        %add3A_165 = arith.addi %add3A_164, %broadcast_in_dim3A_3 : vector<16xi32>
        %gather3A_166 = tpu.vector_load_idx %arg7[%add3A_87, %add3A_165] : memref<128x128xf32, #tpu.memory_space<vmem>>[vector<16xi32>, vector<16xi32>], vector<16xf32>,
        tpu.vector_store_idx %arg8[%add3A_87, %add3A_165], %gather3A_166 : memref<128x128xf32, #tpu.memory_space<vmem>>[vector<16xi32>, vector<16xi32>], vector<16xf32>,
      }
      %while3A_77 = arith.constant 1 : i32
      scf.for %while3A_83 = %while3A_75 to %while3A_71 step %while3A_77  : i32 {
        %mul3A_84 = arith.constant 16 : i32
        %mul3A_85 = arith.muli %while3A_83, %mul3A_84 : i32
        %iota3A = tpu.iota {dimensions = array<i32: 0>} : vector<16xi32>
        %add3A_86 = vector.broadcast %mul3A_85 : i32 to vector<16xi32>
        %add3A_87 = arith.addi %add3A_86, %iota3A : vector<16xi32>
        %add3A_88 = arith.constant 0 : i32
        %add3A_89 = arith.addi %mul3A_66, %add3A_88 : i32
        %add3A_90 = vector.broadcast %add3A_89 : i32 to vector<16xi32>
        %add3A_91 = arith.addi %add3A_90, %broadcast_in_dim3A_3 : vector<16xi32>
        %gather3A = tpu.vector_load_idx %arg7[%add3A_87, %add3A_91] : memref<128x128xf32, #tpu.memory_space<vmem>>[vector<16xi32>, vector<16xi32>], vector<16xf32>,
        tpu.vector_store_idx %arg8[%add3A_87, %add3A_91], %gather3A : memref<128x128xf32, #tpu.memory_space<vmem>>[vector<16xi32>, vector<16xi32>], vector<16xf32>,
        %add3A_92 = arith.constant 1 : i32
        %add3A_93 = arith.addi %mul3A_66, %add3A_92 : i32
        %add3A_94 = vector.broadcast %add3A_93 : i32 to vector<16xi32>
        %add3A_95 = arith.addi %add3A_94, %broadcast_in_dim3A_3 : vector<16xi32>
        %gather3A_96 = tpu.vector_load_idx %arg7[%add3A_87, %add3A_95] : memref<128x128xf32, #tpu.memory_space<vmem>>[vector<16xi32>, vector<16xi32>], vector<16xf32>,
        tpu.vector_store_idx %arg8[%add3A_87, %add3A_95], %gather3A_96 : memref<128x128xf32, #tpu.memory_space<vmem>>[vector<16xi32>, vector<16xi32>], vector<16xf32>,
        %add3A_97 = arith.constant 2 : i32
        %add3A_98 = arith.addi %mul3A_66, %add3A_97 : i32
        %add3A_99 = vector.broadcast %add3A_98 : i32 to vector<16xi32>
        %add3A_100 = arith.addi %add3A_99, %broadcast_in_dim3A_3 : vector<16xi32>
        %gather3A_101 = tpu.vector_load_idx %arg7[%add3A_87, %add3A_100] : memref<128x128xf32, #tpu.memory_space<vmem>>[vector<16xi32>, vector<16xi32>], vector<16xf32>,
        tpu.vector_store_idx %arg8[%add3A_87, %add3A_100], %gather3A_101 : memref<128x128xf32, #tpu.memory_space<vmem>>[vector<16xi32>, vector<16xi32>], vector<16xf32>,
        %add3A_102 = arith.constant 3 : i32
        %add3A_103 = arith.addi %mul3A_66, %add3A_102 : i32
        %add3A_104 = vector.broadcast %add3A_103 : i32 to vector<16xi32>
        %add3A_105 = arith.addi %add3A_104, %broadcast_in_dim3A_3 : vector<16xi32>
        %gather3A_106 = tpu.vector_load_idx %arg7[%add3A_87, %add3A_105] : memref<128x128xf32, #tpu.memory_space<vmem>>[vector<16xi32>, vector<16xi32>], vector<16xf32>,
        tpu.vector_store_idx %arg8[%add3A_87, %add3A_105], %gather3A_106 : memref<128x128xf32, #tpu.memory_space<vmem>>[vector<16xi32>, vector<16xi32>], vector<16xf32>,
        %add3A_107 = arith.constant 4 : i32
        %add3A_108 = arith.addi %mul3A_66, %add3A_107 : i32
        %add3A_109 = vector.broadcast %add3A_108 : i32 to vector<16xi32>
        %add3A_110 = arith.addi %add3A_109, %broadcast_in_dim3A_3 : vector<16xi32>
        %gather3A_111 = tpu.vector_load_idx %arg7[%add3A_87, %add3A_110] : memref<128x128xf32, #tpu.memory_space<vmem>>[vector<16xi32>, vector<16xi32>], vector<16xf32>,
        tpu.vector_store_idx %arg8[%add3A_87, %add3A_110], %gather3A_111 : memref<128x128xf32, #tpu.memory_space<vmem>>[vector<16xi32>, vector<16xi32>], vector<16xf32>,
        %add3A_112 = arith.constant 5 : i32
        %add3A_113 = arith.addi %mul3A_66, %add3A_112 : i32
        %add3A_114 = vector.broadcast %add3A_113 : i32 to vector<16xi32>
        %add3A_115 = arith.addi %add3A_114, %broadcast_in_dim3A_3 : vector<16xi32>
        %gather3A_116 = tpu.vector_load_idx %arg7[%add3A_87, %add3A_115] : memref<128x128xf32, #tpu.memory_space<vmem>>[vector<16xi32>, vector<16xi32>], vector<16xf32>,
        tpu.vector_store_idx %arg8[%add3A_87, %add3A_115], %gather3A_116 : memref<128x128xf32, #tpu.memory_space<vmem>>[vector<16xi32>, vector<16xi32>], vector<16xf32>,
        %add3A_117 = arith.constant 6 : i32
        %add3A_118 = arith.addi %mul3A_66, %add3A_117 : i32
        %add3A_119 = vector.broadcast %add3A_118 : i32 to vector<16xi32>
        %add3A_120 = arith.addi %add3A_119, %broadcast_in_dim3A_3 : vector<16xi32>
        %gather3A_121 = tpu.vector_load_idx %arg7[%add3A_87, %add3A_120] : memref<128x128xf32, #tpu.memory_space<vmem>>[vector<16xi32>, vector<16xi32>], vector<16xf32>,
        tpu.vector_store_idx %arg8[%add3A_87, %add3A_120], %gather3A_121 : memref<128x128xf32, #tpu.memory_space<vmem>>[vector<16xi32>, vector<16xi32>], vector<16xf32>,
        %add3A_122 = arith.constant 7 : i32
        %add3A_123 = arith.addi %mul3A_66, %add3A_122 : i32
        %add3A_124 = vector.broadcast %add3A_123 : i32 to vector<16xi32>
        %add3A_125 = arith.addi %add3A_124, %broadcast_in_dim3A_3 : vector<16xi32>
        %gather3A_126 = tpu.vector_load_idx %arg7[%add3A_87, %add3A_125] : memref<128x128xf32, #tpu.memory_space<vmem>>[vector<16xi32>, vector<16xi32>], vector<16xf32>,
        tpu.vector_store_idx %arg8[%add3A_87, %add3A_125], %gather3A_126 : memref<128x128xf32, #tpu.memory_space<vmem>>[vector<16xi32>, vector<16xi32>], vector<16xf32>,
        %add3A_127 = arith.constant 8 : i32
        %add3A_128 = arith.addi %mul3A_66, %add3A_127 : i32
        %add3A_129 = vector.broadcast %add3A_128 : i32 to vector<16xi32>
        %add3A_130 = arith.addi %add3A_129, %broadcast_in_dim3A_3 : vector<16xi32>
        %gather3A_131 = tpu.vector_load_idx %arg7[%add3A_87, %add3A_130] : memref<128x128xf32, #tpu.memory_space<vmem>>[vector<16xi32>, vector<16xi32>], vector<16xf32>,
        tpu.vector_store_idx %arg8[%add3A_87, %add3A_130], %gather3A_131 : memref<128x128xf32, #tpu.memory_space<vmem>>[vector<16xi32>, vector<16xi32>], vector<16xf32>,
        %add3A_132 = arith.constant 9 : i32
        %add3A_133 = arith.addi %mul3A_66, %add3A_132 : i32
        %add3A_134 = vector.broadcast %add3A_133 : i32 to vector<16xi32>
        %add3A_135 = arith.addi %add3A_134, %broadcast_in_dim3A_3 : vector<16xi32>
        %gather3A_136 = tpu.vector_load_idx %arg7[%add3A_87, %add3A_135] : memref<128x128xf32, #tpu.memory_space<vmem>>[vector<16xi32>, vector<16xi32>], vector<16xf32>,
        tpu.vector_store_idx %arg8[%add3A_87, %add3A_135], %gather3A_136 : memref<128x128xf32, #tpu.memory_space<vmem>>[vector<16xi32>, vector<16xi32>], vector<16xf32>,
        %add3A_137 = arith.constant 10 : i32
        %add3A_138 = arith.addi %mul3A_66, %add3A_137 : i32
        %add3A_139 = vector.broadcast %add3A_138 : i32 to vector<16xi32>
        %add3A_140 = arith.addi %add3A_139, %broadcast_in_dim3A_3 : vector<16xi32>
        %gather3A_141 = tpu.vector_load_idx %arg7[%add3A_87, %add3A_140] : memref<128x128xf32, #tpu.memory_space<vmem>>[vector<16xi32>, vector<16xi32>], vector<16xf32>,
        tpu.vector_store_idx %arg8[%add3A_87, %add3A_140], %gather3A_141 : memref<128x128xf32, #tpu.memory_space<vmem>>[vector<16xi32>, vector<16xi32>], vector<16xf32>,
        %add3A_142 = arith.constant 11 : i32
        %add3A_143 = arith.addi %mul3A_66, %add3A_142 : i32
        %add3A_144 = vector.broadcast %add3A_143 : i32 to vector<16xi32>
        %add3A_145 = arith.addi %add3A_144, %broadcast_in_dim3A_3 : vector<16xi32>
        %gather3A_146 = tpu.vector_load_idx %arg7[%add3A_87, %add3A_145] : memref<128x128xf32, #tpu.memory_space<vmem>>[vector<16xi32>, vector<16xi32>], vector<16xf32>,
        tpu.vector_store_idx %arg8[%add3A_87, %add3A_145], %gather3A_146 : memref<128x128xf32, #tpu.memory_space<vmem>>[vector<16xi32>, vector<16xi32>], vector<16xf32>,
        %add3A_147 = arith.constant 12 : i32
        %add3A_148 = arith.addi %mul3A_66, %add3A_147 : i32
        %add3A_149 = vector.broadcast %add3A_148 : i32 to vector<16xi32>
        %add3A_150 = arith.addi %add3A_149, %broadcast_in_dim3A_3 : vector<16xi32>
        %gather3A_151 = tpu.vector_load_idx %arg7[%add3A_87, %add3A_150] : memref<128x128xf32, #tpu.memory_space<vmem>>[vector<16xi32>, vector<16xi32>], vector<16xf32>,
        tpu.vector_store_idx %arg8[%add3A_87, %add3A_150], %gather3A_151 : memref<128x128xf32, #tpu.memory_space<vmem>>[vector<16xi32>, vector<16xi32>], vector<16xf32>,
        %add3A_152 = arith.constant 13 : i32
        %add3A_153 = arith.addi %mul3A_66, %add3A_152 : i32
        %add3A_154 = vector.broadcast %add3A_153 : i32 to vector<16xi32>
        %add3A_155 = arith.addi %add3A_154, %broadcast_in_dim3A_3 : vector<16xi32>
        %gather3A_156 = tpu.vector_load_idx %arg7[%add3A_87, %add3A_155] : memref<128x128xf32, #tpu.memory_space<vmem>>[vector<16xi32>, vector<16xi32>], vector<16xf32>,
        tpu.vector_store_idx %arg8[%add3A_87, %add3A_155], %gather3A_156 : memref<128x128xf32, #tpu.memory_space<vmem>>[vector<16xi32>, vector<16xi32>], vector<16xf32>,
        %add3A_157 = arith.constant 14 : i32
        %add3A_158 = arith.addi %mul3A_66, %add3A_157 : i32
        %add3A_159 = vector.broadcast %add3A_158 : i32 to vector<16xi32>
        %add3A_160 = arith.addi %add3A_159, %broadcast_in_dim3A_3 : vector<16xi32>
        %gather3A_161 = tpu.vector_load_idx %arg7[%add3A_87, %add3A_160] : memref<128x128xf32, #tpu.memory_space<vmem>>[vector<16xi32>, vector<16xi32>], vector<16xf32>,
        tpu.vector_store_idx %arg8[%add3A_87, %add3A_160], %gather3A_161 : memref<128x128xf32, #tpu.memory_space<vmem>>[vector<16xi32>, vector<16xi32>], vector<16xf32>,
        %add3A_162 = arith.constant 15 : i32
        %add3A_163 = arith.addi %mul3A_66, %add3A_162 : i32
        %add3A_164 = vector.broadcast %add3A_163 : i32 to vector<16xi32>
        %add3A_165 = arith.addi %add3A_164, %broadcast_in_dim3A_3 : vector<16xi32>
        %gather3A_166 = tpu.vector_load_idx %arg7[%add3A_87, %add3A_165] : memref<128x128xf32, #tpu.memory_space<vmem>>[vector<16xi32>, vector<16xi32>], vector<16xf32>,
        tpu.vector_store_idx %arg8[%add3A_87, %add3A_165], %gather3A_166 : memref<128x128xf32, #tpu.memory_space<vmem>>[vector<16xi32>, vector<16xi32>], vector<16xf32>,
      }
      %rem3A = arith.constant 8 : i32
      %rem3A_78 = arith.remsi %add3A_24, %rem3A : i32
      %eq3A = arith.constant 7 : i32
      %eq3A_79 = arith.cmpi eq, %rem3A_78, %eq3A : i32
      %convert_element_type3A_80 = arith.extui %eq3A_79 : i1 to i32
      %cond3A_81 = arith.constant 0 : i32
      %cond3A_82 = arith.cmpi ne, %convert_element_type3A_80, %cond3A_81 : i32
      scf.if %cond3A_82 {
        %div3A_83 = arith.constant 8 : i32
        %div3A_84 = arith.divsi %add3A_24, %div3A_83 : i32
        %mul3A_85 = arith.constant 128 : i32
        %mul3A_86 = arith.muli %div3A_84, %mul3A_85 : i32
        %add3A_87 = arith.addi %mul3A_2, %mul3A_86 : i32
        "tpu.region"() ({
          %run_scoped3A = tpu.sem_alloc : memref<!tpu.dma_semaphore, #tpu.memory_space<semaphore_mem>>
          %dma_start3A_88 = arith.constant 0 : i32
          %dma_start3A_89 = tpu.memref_slice %arg4[%add3A_87, %dma_start3A_88] : memref<16384x128xf32, #tpu.memory_space<hbm>> -> memref<128x128xf32, #tpu.memory_space<hbm>>
          %dma_start3A_90 = arith.constant 0 : i32
          %dma_start3A_91 = tpu.memref_slice %arg4[%add3A_87, %dma_start3A_90] : memref<16384x128xf32, #tpu.memory_space<hbm>> -> memref<128x128xf32, #tpu.memory_space<hbm>>
          tpu.enqueue_dma source(%arg8 : memref<128x128xf32, #tpu.memory_space<vmem>>) target(%dma_start3A_91 : memref<128x128xf32, #tpu.memory_space<hbm>>) target_semaphore(%run_scoped3A : memref<!tpu.dma_semaphore, #tpu.memory_space<semaphore_mem>>)
          %dma_wait3A_92 = arith.constant 0 : i32
          %dma_wait3A_93 = tpu.memref_slice %arg4[%add3A_87, %dma_wait3A_92] : memref<16384x128xf32, #tpu.memory_space<hbm>> -> memref<128x128xf32, #tpu.memory_space<hbm>>
          %dma_wait3A_94 = arith.constant 0 : i32
          %dma_wait3A_95 = tpu.memref_slice %arg4[%add3A_87, %dma_wait3A_94] : memref<16384x128xf32, #tpu.memory_space<hbm>> -> memref<128x128xf32, #tpu.memory_space<hbm>>
          tpu.wait_dma2 semaphore(%run_scoped3A : memref<!tpu.dma_semaphore, #tpu.memory_space<semaphore_mem>>) src(%arg8 : memref<128x128xf32, #tpu.memory_space<vmem>>) dst(%dma_wait3A_95 : memref<128x128xf32, #tpu.memory_space<hbm>>)
          tpu.yield
        }) : () -> ()
      } else {
      }
    }
    %while3A_19 = arith.constant 1 : i32
    scf.for %while3A_20 = %while3A_17 to %while3A_13 step %while3A_19  : i32 {
      %mul3A_21 = arith.constant 2 : i32
      %mul3A_22 = arith.muli %while3A_20, %mul3A_21 : i32
      %add3A_23 = arith.constant 1 : i32
      %add3A_24 = arith.addi %mul3A_22, %add3A_23 : i32
      %dma_wait3A = arith.constant 0 : i32
      %dma_wait3A_25 = tpu.memref_slice %arg5[%mul3A_22, %dma_wait3A] : memref<32x128xi32, #tpu.memory_space<vmem>> -> memref<1x128xi32, #tpu.memory_space<vmem>>
      %dma_wait3A_26 = tpu.memref_squeeze %dma_wait3A_25 : memref<1x128xi32, #tpu.memory_space<vmem>> -> memref<128xi32, #tpu.memory_space<vmem>>
      %dma_wait3A_27 = arith.constant 0 : i32
      %dma_wait3A_28 = arith.constant 0 : i32
      %dma_wait3A_29 = tpu.memref_slice %arg2[%dma_wait3A_27, %dma_wait3A_28] : memref<1000000x128xf32, #tpu.memory_space<hbm>> -> memref<1000000x128xf32, #tpu.memory_space<hbm>>
      tpu.wait_indirect_dma semaphore(%arg9 : memref<!tpu.dma_semaphore, #tpu.memory_space<semaphore_mem>>) src(%dma_wait3A_29 : memref<1000000x128xf32, #tpu.memory_space<hbm>>) dst(%arg6 : memref<128x128xf32, #tpu.memory_space<vmem>>)
      %dma_start3A_30 = arith.constant 0 : i32
      %dma_start3A_31 = tpu.memref_slice %arg5[%add3A_24, %dma_start3A_30] : memref<32x128xi32, #tpu.memory_space<vmem>> -> memref<1x128xi32, #tpu.memory_space<vmem>>
      %dma_start3A_32 = tpu.memref_squeeze %dma_start3A_31 : memref<1x128xi32, #tpu.memory_space<vmem>> -> memref<128xi32, #tpu.memory_space<vmem>>
      %dma_start3A_33 = arith.constant 0 : i32
      %dma_start3A_34 = arith.constant 0 : i32
      %dma_start3A_35 = tpu.memref_slice %arg2[%dma_start3A_33, %dma_start3A_34] : memref<1000000x128xf32, #tpu.memory_space<hbm>> -> memref<1000000x128xf32, #tpu.memory_space<hbm>>
      tpu.enqueue_indirect_dma source(%dma_start3A_35 : memref<1000000x128xf32, #tpu.memory_space<hbm>>) target(%arg7 : memref<128x128xf32, #tpu.memory_space<vmem>>) offsets(%dma_start3A_32 : memref<128xi32, #tpu.memory_space<vmem>>) semaphore(%arg10 : memref<!tpu.dma_semaphore, #tpu.memory_space<semaphore_mem>>)
      %div3A = arith.constant 8 : i32
      %div3A_36 = arith.divsi %mul3A_22, %div3A : i32
      %mul3A_37 = arith.constant 8 : i32
      %mul3A_38 = arith.muli %div3A_36, %mul3A_37 : i32
      %sub3A = arith.subi %mul3A_22, %mul3A_38 : i32
      %mul3A_39 = arith.constant 16 : i32
      %mul3A_40 = arith.muli %sub3A, %mul3A_39 : i32
      %while3A_41 = arith.constant 0 : i32
      %while3A_42 = arith.constant 0 : i32
      %while3A_43 = arith.constant 8 : i32
      %while3A_44 = arith.subi %while3A_43, %while3A_42 : i32
      %while3A_45 = arith.addi %while3A_42, %while3A_44 : i32
      %while3A_46 = arith.constant 1 : i32
      %while3A_47 = arith.divsi %while3A_44, %while3A_46 : i32
      %while3A_48 = arith.muli %while3A_47, %while3A_46 : i32
      %while3A_49 = arith.addi %while3A_42, %while3A_48 : i32
      %while3A_50 = arith.constant 1 : i32
      scf.for %while3A_83 = %while3A_42 to %while3A_49 step %while3A_50  : i32 {
        %mul3A_84 = arith.constant 16 : i32
        %mul3A_85 = arith.muli %while3A_83, %mul3A_84 : i32
        %iota3A = tpu.iota {dimensions = array<i32: 0>} : vector<16xi32>
        %add3A_86 = vector.broadcast %mul3A_85 : i32 to vector<16xi32>
        %add3A_87 = arith.addi %add3A_86, %iota3A : vector<16xi32>
        %add3A_88 = arith.constant 0 : i32
        %add3A_89 = arith.addi %mul3A_40, %add3A_88 : i32
        %add3A_90 = vector.broadcast %add3A_89 : i32 to vector<16xi32>
        %add3A_91 = arith.addi %add3A_90, %broadcast_in_dim3A_3 : vector<16xi32>
        %gather3A = tpu.vector_load_idx %arg6[%add3A_87, %add3A_91] : memref<128x128xf32, #tpu.memory_space<vmem>>[vector<16xi32>, vector<16xi32>], vector<16xf32>,
        tpu.vector_store_idx %arg8[%add3A_87, %add3A_91], %gather3A : memref<128x128xf32, #tpu.memory_space<vmem>>[vector<16xi32>, vector<16xi32>], vector<16xf32>,
        %add3A_92 = arith.constant 1 : i32
        %add3A_93 = arith.addi %mul3A_40, %add3A_92 : i32
        %add3A_94 = vector.broadcast %add3A_93 : i32 to vector<16xi32>
        %add3A_95 = arith.addi %add3A_94, %broadcast_in_dim3A_3 : vector<16xi32>
        %gather3A_96 = tpu.vector_load_idx %arg6[%add3A_87, %add3A_95] : memref<128x128xf32, #tpu.memory_space<vmem>>[vector<16xi32>, vector<16xi32>], vector<16xf32>,
        tpu.vector_store_idx %arg8[%add3A_87, %add3A_95], %gather3A_96 : memref<128x128xf32, #tpu.memory_space<vmem>>[vector<16xi32>, vector<16xi32>], vector<16xf32>,
        %add3A_97 = arith.constant 2 : i32
        %add3A_98 = arith.addi %mul3A_40, %add3A_97 : i32
        %add3A_99 = vector.broadcast %add3A_98 : i32 to vector<16xi32>
        %add3A_100 = arith.addi %add3A_99, %broadcast_in_dim3A_3 : vector<16xi32>
        %gather3A_101 = tpu.vector_load_idx %arg6[%add3A_87, %add3A_100] : memref<128x128xf32, #tpu.memory_space<vmem>>[vector<16xi32>, vector<16xi32>], vector<16xf32>,
        tpu.vector_store_idx %arg8[%add3A_87, %add3A_100], %gather3A_101 : memref<128x128xf32, #tpu.memory_space<vmem>>[vector<16xi32>, vector<16xi32>], vector<16xf32>,
        %add3A_102 = arith.constant 3 : i32
        %add3A_103 = arith.addi %mul3A_40, %add3A_102 : i32
        %add3A_104 = vector.broadcast %add3A_103 : i32 to vector<16xi32>
        %add3A_105 = arith.addi %add3A_104, %broadcast_in_dim3A_3 : vector<16xi32>
        %gather3A_106 = tpu.vector_load_idx %arg6[%add3A_87, %add3A_105] : memref<128x128xf32, #tpu.memory_space<vmem>>[vector<16xi32>, vector<16xi32>], vector<16xf32>,
        tpu.vector_store_idx %arg8[%add3A_87, %add3A_105], %gather3A_106 : memref<128x128xf32, #tpu.memory_space<vmem>>[vector<16xi32>, vector<16xi32>], vector<16xf32>,
        %add3A_107 = arith.constant 4 : i32
        %add3A_108 = arith.addi %mul3A_40, %add3A_107 : i32
        %add3A_109 = vector.broadcast %add3A_108 : i32 to vector<16xi32>
        %add3A_110 = arith.addi %add3A_109, %broadcast_in_dim3A_3 : vector<16xi32>
        %gather3A_111 = tpu.vector_load_idx %arg6[%add3A_87, %add3A_110] : memref<128x128xf32, #tpu.memory_space<vmem>>[vector<16xi32>, vector<16xi32>], vector<16xf32>,
        tpu.vector_store_idx %arg8[%add3A_87, %add3A_110], %gather3A_111 : memref<128x128xf32, #tpu.memory_space<vmem>>[vector<16xi32>, vector<16xi32>], vector<16xf32>,
        %add3A_112 = arith.constant 5 : i32
        %add3A_113 = arith.addi %mul3A_40, %add3A_112 : i32
        %add3A_114 = vector.broadcast %add3A_113 : i32 to vector<16xi32>
        %add3A_115 = arith.addi %add3A_114, %broadcast_in_dim3A_3 : vector<16xi32>
        %gather3A_116 = tpu.vector_load_idx %arg6[%add3A_87, %add3A_115] : memref<128x128xf32, #tpu.memory_space<vmem>>[vector<16xi32>, vector<16xi32>], vector<16xf32>,
        tpu.vector_store_idx %arg8[%add3A_87, %add3A_115], %gather3A_116 : memref<128x128xf32, #tpu.memory_space<vmem>>[vector<16xi32>, vector<16xi32>], vector<16xf32>,
        %add3A_117 = arith.constant 6 : i32
        %add3A_118 = arith.addi %mul3A_40, %add3A_117 : i32
        %add3A_119 = vector.broadcast %add3A_118 : i32 to vector<16xi32>
        %add3A_120 = arith.addi %add3A_119, %broadcast_in_dim3A_3 : vector<16xi32>
        %gather3A_121 = tpu.vector_load_idx %arg6[%add3A_87, %add3A_120] : memref<128x128xf32, #tpu.memory_space<vmem>>[vector<16xi32>, vector<16xi32>], vector<16xf32>,
        tpu.vector_store_idx %arg8[%add3A_87, %add3A_120], %gather3A_121 : memref<128x128xf32, #tpu.memory_space<vmem>>[vector<16xi32>, vector<16xi32>], vector<16xf32>,
        %add3A_122 = arith.constant 7 : i32
        %add3A_123 = arith.addi %mul3A_40, %add3A_122 : i32
        %add3A_124 = vector.broadcast %add3A_123 : i32 to vector<16xi32>
        %add3A_125 = arith.addi %add3A_124, %broadcast_in_dim3A_3 : vector<16xi32>
        %gather3A_126 = tpu.vector_load_idx %arg6[%add3A_87, %add3A_125] : memref<128x128xf32, #tpu.memory_space<vmem>>[vector<16xi32>, vector<16xi32>], vector<16xf32>,
        tpu.vector_store_idx %arg8[%add3A_87, %add3A_125], %gather3A_126 : memref<128x128xf32, #tpu.memory_space<vmem>>[vector<16xi32>, vector<16xi32>], vector<16xf32>,
        %add3A_127 = arith.constant 8 : i32
        %add3A_128 = arith.addi %mul3A_40, %add3A_127 : i32
        %add3A_129 = vector.broadcast %add3A_128 : i32 to vector<16xi32>
        %add3A_130 = arith.addi %add3A_129, %broadcast_in_dim3A_3 : vector<16xi32>
        %gather3A_131 = tpu.vector_load_idx %arg6[%add3A_87, %add3A_130] : memref<128x128xf32, #tpu.memory_space<vmem>>[vector<16xi32>, vector<16xi32>], vector<16xf32>,
        tpu.vector_store_idx %arg8[%add3A_87, %add3A_130], %gather3A_131 : memref<128x128xf32, #tpu.memory_space<vmem>>[vector<16xi32>, vector<16xi32>], vector<16xf32>,
        %add3A_132 = arith.constant 9 : i32
        %add3A_133 = arith.addi %mul3A_40, %add3A_132 : i32
        %add3A_134 = vector.broadcast %add3A_133 : i32 to vector<16xi32>
        %add3A_135 = arith.addi %add3A_134, %broadcast_in_dim3A_3 : vector<16xi32>
        %gather3A_136 = tpu.vector_load_idx %arg6[%add3A_87, %add3A_135] : memref<128x128xf32, #tpu.memory_space<vmem>>[vector<16xi32>, vector<16xi32>], vector<16xf32>,
        tpu.vector_store_idx %arg8[%add3A_87, %add3A_135], %gather3A_136 : memref<128x128xf32, #tpu.memory_space<vmem>>[vector<16xi32>, vector<16xi32>], vector<16xf32>,
        %add3A_137 = arith.constant 10 : i32
        %add3A_138 = arith.addi %mul3A_40, %add3A_137 : i32
        %add3A_139 = vector.broadcast %add3A_138 : i32 to vector<16xi32>
        %add3A_140 = arith.addi %add3A_139, %broadcast_in_dim3A_3 : vector<16xi32>
        %gather3A_141 = tpu.vector_load_idx %arg6[%add3A_87, %add3A_140] : memref<128x128xf32, #tpu.memory_space<vmem>>[vector<16xi32>, vector<16xi32>], vector<16xf32>,
        tpu.vector_store_idx %arg8[%add3A_87, %add3A_140], %gather3A_141 : memref<128x128xf32, #tpu.memory_space<vmem>>[vector<16xi32>, vector<16xi32>], vector<16xf32>,
        %add3A_142 = arith.constant 11 : i32
        %add3A_143 = arith.addi %mul3A_40, %add3A_142 : i32
        %add3A_144 = vector.broadcast %add3A_143 : i32 to vector<16xi32>
        %add3A_145 = arith.addi %add3A_144, %broadcast_in_dim3A_3 : vector<16xi32>
        %gather3A_146 = tpu.vector_load_idx %arg6[%add3A_87, %add3A_145] : memref<128x128xf32, #tpu.memory_space<vmem>>[vector<16xi32>, vector<16xi32>], vector<16xf32>,
        tpu.vector_store_idx %arg8[%add3A_87, %add3A_145], %gather3A_146 : memref<128x128xf32, #tpu.memory_space<vmem>>[vector<16xi32>, vector<16xi32>], vector<16xf32>,
        %add3A_147 = arith.constant 12 : i32
        %add3A_148 = arith.addi %mul3A_40, %add3A_147 : i32
        %add3A_149 = vector.broadcast %add3A_148 : i32 to vector<16xi32>
        %add3A_150 = arith.addi %add3A_149, %broadcast_in_dim3A_3 : vector<16xi32>
        %gather3A_151 = tpu.vector_load_idx %arg6[%add3A_87, %add3A_150] : memref<128x128xf32, #tpu.memory_space<vmem>>[vector<16xi32>, vector<16xi32>], vector<16xf32>,
        tpu.vector_store_idx %arg8[%add3A_87, %add3A_150], %gather3A_151 : memref<128x128xf32, #tpu.memory_space<vmem>>[vector<16xi32>, vector<16xi32>], vector<16xf32>,
        %add3A_152 = arith.constant 13 : i32
        %add3A_153 = arith.addi %mul3A_40, %add3A_152 : i32
        %add3A_154 = vector.broadcast %add3A_153 : i32 to vector<16xi32>
        %add3A_155 = arith.addi %add3A_154, %broadcast_in_dim3A_3 : vector<16xi32>
        %gather3A_156 = tpu.vector_load_idx %arg6[%add3A_87, %add3A_155] : memref<128x128xf32, #tpu.memory_space<vmem>>[vector<16xi32>, vector<16xi32>], vector<16xf32>,
        tpu.vector_store_idx %arg8[%add3A_87, %add3A_155], %gather3A_156 : memref<128x128xf32, #tpu.memory_space<vmem>>[vector<16xi32>, vector<16xi32>], vector<16xf32>,
        %add3A_157 = arith.constant 14 : i32
        %add3A_158 = arith.addi %mul3A_40, %add3A_157 : i32
        %add3A_159 = vector.broadcast %add3A_158 : i32 to vector<16xi32>
        %add3A_160 = arith.addi %add3A_159, %broadcast_in_dim3A_3 : vector<16xi32>
        %gather3A_161 = tpu.vector_load_idx %arg6[%add3A_87, %add3A_160] : memref<128x128xf32, #tpu.memory_space<vmem>>[vector<16xi32>, vector<16xi32>], vector<16xf32>,
        tpu.vector_store_idx %arg8[%add3A_87, %add3A_160], %gather3A_161 : memref<128x128xf32, #tpu.memory_space<vmem>>[vector<16xi32>, vector<16xi32>], vector<16xf32>,
        %add3A_162 = arith.constant 15 : i32
        %add3A_163 = arith.addi %mul3A_40, %add3A_162 : i32
        %add3A_164 = vector.broadcast %add3A_163 : i32 to vector<16xi32>
        %add3A_165 = arith.addi %add3A_164, %broadcast_in_dim3A_3 : vector<16xi32>
        %gather3A_166 = tpu.vector_load_idx %arg6[%add3A_87, %add3A_165] : memref<128x128xf32, #tpu.memory_space<vmem>>[vector<16xi32>, vector<16xi32>], vector<16xf32>,
        tpu.vector_store_idx %arg8[%add3A_87, %add3A_165], %gather3A_166 : memref<128x128xf32, #tpu.memory_space<vmem>>[vector<16xi32>, vector<16xi32>], vector<16xf32>,
      }
      %while3A_51 = arith.constant 1 : i32
      scf.for %while3A_83 = %while3A_49 to %while3A_45 step %while3A_51  : i32 {
        %mul3A_84 = arith.constant 16 : i32
        %mul3A_85 = arith.muli %while3A_83, %mul3A_84 : i32
        %iota3A = tpu.iota {dimensions = array<i32: 0>} : vector<16xi32>
        %add3A_86 = vector.broadcast %mul3A_85 : i32 to vector<16xi32>
        %add3A_87 = arith.addi %add3A_86, %iota3A : vector<16xi32>
        %add3A_88 = arith.constant 0 : i32
        %add3A_89 = arith.addi %mul3A_40, %add3A_88 : i32
        %add3A_90 = vector.broadcast %add3A_89 : i32 to vector<16xi32>
        %add3A_91 = arith.addi %add3A_90, %broadcast_in_dim3A_3 : vector<16xi32>
        %gather3A = tpu.vector_load_idx %arg6[%add3A_87, %add3A_91] : memref<128x128xf32, #tpu.memory_space<vmem>>[vector<16xi32>, vector<16xi32>], vector<16xf32>,
        tpu.vector_store_idx %arg8[%add3A_87, %add3A_91], %gather3A : memref<128x128xf32, #tpu.memory_space<vmem>>[vector<16xi32>, vector<16xi32>], vector<16xf32>,
        %add3A_92 = arith.constant 1 : i32
        %add3A_93 = arith.addi %mul3A_40, %add3A_92 : i32
        %add3A_94 = vector.broadcast %add3A_93 : i32 to vector<16xi32>
        %add3A_95 = arith.addi %add3A_94, %broadcast_in_dim3A_3 : vector<16xi32>
        %gather3A_96 = tpu.vector_load_idx %arg6[%add3A_87, %add3A_95] : memref<128x128xf32, #tpu.memory_space<vmem>>[vector<16xi32>, vector<16xi32>], vector<16xf32>,
        tpu.vector_store_idx %arg8[%add3A_87, %add3A_95], %gather3A_96 : memref<128x128xf32, #tpu.memory_space<vmem>>[vector<16xi32>, vector<16xi32>], vector<16xf32>,
        %add3A_97 = arith.constant 2 : i32
        %add3A_98 = arith.addi %mul3A_40, %add3A_97 : i32
        %add3A_99 = vector.broadcast %add3A_98 : i32 to vector<16xi32>
        %add3A_100 = arith.addi %add3A_99, %broadcast_in_dim3A_3 : vector<16xi32>
        %gather3A_101 = tpu.vector_load_idx %arg6[%add3A_87, %add3A_100] : memref<128x128xf32, #tpu.memory_space<vmem>>[vector<16xi32>, vector<16xi32>], vector<16xf32>,
        tpu.vector_store_idx %arg8[%add3A_87, %add3A_100], %gather3A_101 : memref<128x128xf32, #tpu.memory_space<vmem>>[vector<16xi32>, vector<16xi32>], vector<16xf32>,
        %add3A_102 = arith.constant 3 : i32
        %add3A_103 = arith.addi %mul3A_40, %add3A_102 : i32
        %add3A_104 = vector.broadcast %add3A_103 : i32 to vector<16xi32>
        %add3A_105 = arith.addi %add3A_104, %broadcast_in_dim3A_3 : vector<16xi32>
        %gather3A_106 = tpu.vector_load_idx %arg6[%add3A_87, %add3A_105] : memref<128x128xf32, #tpu.memory_space<vmem>>[vector<16xi32>, vector<16xi32>], vector<16xf32>,
        tpu.vector_store_idx %arg8[%add3A_87, %add3A_105], %gather3A_106 : memref<128x128xf32, #tpu.memory_space<vmem>>[vector<16xi32>, vector<16xi32>], vector<16xf32>,
        %add3A_107 = arith.constant 4 : i32
        %add3A_108 = arith.addi %mul3A_40, %add3A_107 : i32
        %add3A_109 = vector.broadcast %add3A_108 : i32 to vector<16xi32>
        %add3A_110 = arith.addi %add3A_109, %broadcast_in_dim3A_3 : vector<16xi32>
        %gather3A_111 = tpu.vector_load_idx %arg6[%add3A_87, %add3A_110] : memref<128x128xf32, #tpu.memory_space<vmem>>[vector<16xi32>, vector<16xi32>], vector<16xf32>,
        tpu.vector_store_idx %arg8[%add3A_87, %add3A_110], %gather3A_111 : memref<128x128xf32, #tpu.memory_space<vmem>>[vector<16xi32>, vector<16xi32>], vector<16xf32>,
        %add3A_112 = arith.constant 5 : i32
        %add3A_113 = arith.addi %mul3A_40, %add3A_112 : i32
        %add3A_114 = vector.broadcast %add3A_113 : i32 to vector<16xi32>
        %add3A_115 = arith.addi %add3A_114, %broadcast_in_dim3A_3 : vector<16xi32>
        %gather3A_116 = tpu.vector_load_idx %arg6[%add3A_87, %add3A_115] : memref<128x128xf32, #tpu.memory_space<vmem>>[vector<16xi32>, vector<16xi32>], vector<16xf32>,
        tpu.vector_store_idx %arg8[%add3A_87, %add3A_115], %gather3A_116 : memref<128x128xf32, #tpu.memory_space<vmem>>[vector<16xi32>, vector<16xi32>], vector<16xf32>,
        %add3A_117 = arith.constant 6 : i32
        %add3A_118 = arith.addi %mul3A_40, %add3A_117 : i32
        %add3A_119 = vector.broadcast %add3A_118 : i32 to vector<16xi32>
        %add3A_120 = arith.addi %add3A_119, %broadcast_in_dim3A_3 : vector<16xi32>
        %gather3A_121 = tpu.vector_load_idx %arg6[%add3A_87, %add3A_120] : memref<128x128xf32, #tpu.memory_space<vmem>>[vector<16xi32>, vector<16xi32>], vector<16xf32>,
        tpu.vector_store_idx %arg8[%add3A_87, %add3A_120], %gather3A_121 : memref<128x128xf32, #tpu.memory_space<vmem>>[vector<16xi32>, vector<16xi32>], vector<16xf32>,
        %add3A_122 = arith.constant 7 : i32
        %add3A_123 = arith.addi %mul3A_40, %add3A_122 : i32
        %add3A_124 = vector.broadcast %add3A_123 : i32 to vector<16xi32>
        %add3A_125 = arith.addi %add3A_124, %broadcast_in_dim3A_3 : vector<16xi32>
        %gather3A_126 = tpu.vector_load_idx %arg6[%add3A_87, %add3A_125] : memref<128x128xf32, #tpu.memory_space<vmem>>[vector<16xi32>, vector<16xi32>], vector<16xf32>,
        tpu.vector_store_idx %arg8[%add3A_87, %add3A_125], %gather3A_126 : memref<128x128xf32, #tpu.memory_space<vmem>>[vector<16xi32>, vector<16xi32>], vector<16xf32>,
        %add3A_127 = arith.constant 8 : i32
        %add3A_128 = arith.addi %mul3A_40, %add3A_127 : i32
        %add3A_129 = vector.broadcast %add3A_128 : i32 to vector<16xi32>
        %add3A_130 = arith.addi %add3A_129, %broadcast_in_dim3A_3 : vector<16xi32>
        %gather3A_131 = tpu.vector_load_idx %arg6[%add3A_87, %add3A_130] : memref<128x128xf32, #tpu.memory_space<vmem>>[vector<16xi32>, vector<16xi32>], vector<16xf32>,
        tpu.vector_store_idx %arg8[%add3A_87, %add3A_130], %gather3A_131 : memref<128x128xf32, #tpu.memory_space<vmem>>[vector<16xi32>, vector<16xi32>], vector<16xf32>,
        %add3A_132 = arith.constant 9 : i32
        %add3A_133 = arith.addi %mul3A_40, %add3A_132 : i32
        %add3A_134 = vector.broadcast %add3A_133 : i32 to vector<16xi32>
        %add3A_135 = arith.addi %add3A_134, %broadcast_in_dim3A_3 : vector<16xi32>
        %gather3A_136 = tpu.vector_load_idx %arg6[%add3A_87, %add3A_135] : memref<128x128xf32, #tpu.memory_space<vmem>>[vector<16xi32>, vector<16xi32>], vector<16xf32>,
        tpu.vector_store_idx %arg8[%add3A_87, %add3A_135], %gather3A_136 : memref<128x128xf32, #tpu.memory_space<vmem>>[vector<16xi32>, vector<16xi32>], vector<16xf32>,
        %add3A_137 = arith.constant 10 : i32
        %add3A_138 = arith.addi %mul3A_40, %add3A_137 : i32
        %add3A_139 = vector.broadcast %add3A_138 : i32 to vector<16xi32>
        %add3A_140 = arith.addi %add3A_139, %broadcast_in_dim3A_3 : vector<16xi32>
        %gather3A_141 = tpu.vector_load_idx %arg6[%add3A_87, %add3A_140] : memref<128x128xf32, #tpu.memory_space<vmem>>[vector<16xi32>, vector<16xi32>], vector<16xf32>,
        tpu.vector_store_idx %arg8[%add3A_87, %add3A_140], %gather3A_141 : memref<128x128xf32, #tpu.memory_space<vmem>>[vector<16xi32>, vector<16xi32>], vector<16xf32>,
        %add3A_142 = arith.constant 11 : i32
        %add3A_143 = arith.addi %mul3A_40, %add3A_142 : i32
        %add3A_144 = vector.broadcast %add3A_143 : i32 to vector<16xi32>
        %add3A_145 = arith.addi %add3A_144, %broadcast_in_dim3A_3 : vector<16xi32>
        %gather3A_146 = tpu.vector_load_idx %arg6[%add3A_87, %add3A_145] : memref<128x128xf32, #tpu.memory_space<vmem>>[vector<16xi32>, vector<16xi32>], vector<16xf32>,
        tpu.vector_store_idx %arg8[%add3A_87, %add3A_145], %gather3A_146 : memref<128x128xf32, #tpu.memory_space<vmem>>[vector<16xi32>, vector<16xi32>], vector<16xf32>,
        %add3A_147 = arith.constant 12 : i32
        %add3A_148 = arith.addi %mul3A_40, %add3A_147 : i32
        %add3A_149 = vector.broadcast %add3A_148 : i32 to vector<16xi32>
        %add3A_150 = arith.addi %add3A_149, %broadcast_in_dim3A_3 : vector<16xi32>
        %gather3A_151 = tpu.vector_load_idx %arg6[%add3A_87, %add3A_150] : memref<128x128xf32, #tpu.memory_space<vmem>>[vector<16xi32>, vector<16xi32>], vector<16xf32>,
        tpu.vector_store_idx %arg8[%add3A_87, %add3A_150], %gather3A_151 : memref<128x128xf32, #tpu.memory_space<vmem>>[vector<16xi32>, vector<16xi32>], vector<16xf32>,
        %add3A_152 = arith.constant 13 : i32
        %add3A_153 = arith.addi %mul3A_40, %add3A_152 : i32
        %add3A_154 = vector.broadcast %add3A_153 : i32 to vector<16xi32>
        %add3A_155 = arith.addi %add3A_154, %broadcast_in_dim3A_3 : vector<16xi32>
        %gather3A_156 = tpu.vector_load_idx %arg6[%add3A_87, %add3A_155] : memref<128x128xf32, #tpu.memory_space<vmem>>[vector<16xi32>, vector<16xi32>], vector<16xf32>,
        tpu.vector_store_idx %arg8[%add3A_87, %add3A_155], %gather3A_156 : memref<128x128xf32, #tpu.memory_space<vmem>>[vector<16xi32>, vector<16xi32>], vector<16xf32>,
        %add3A_157 = arith.constant 14 : i32
        %add3A_158 = arith.addi %mul3A_40, %add3A_157 : i32
        %add3A_159 = vector.broadcast %add3A_158 : i32 to vector<16xi32>
        %add3A_160 = arith.addi %add3A_159, %broadcast_in_dim3A_3 : vector<16xi32>
        %gather3A_161 = tpu.vector_load_idx %arg6[%add3A_87, %add3A_160] : memref<128x128xf32, #tpu.memory_space<vmem>>[vector<16xi32>, vector<16xi32>], vector<16xf32>,
        tpu.vector_store_idx %arg8[%add3A_87, %add3A_160], %gather3A_161 : memref<128x128xf32, #tpu.memory_space<vmem>>[vector<16xi32>, vector<16xi32>], vector<16xf32>,
        %add3A_162 = arith.constant 15 : i32
        %add3A_163 = arith.addi %mul3A_40, %add3A_162 : i32
        %add3A_164 = vector.broadcast %add3A_163 : i32 to vector<16xi32>
        %add3A_165 = arith.addi %add3A_164, %broadcast_in_dim3A_3 : vector<16xi32>
        %gather3A_166 = tpu.vector_load_idx %arg6[%add3A_87, %add3A_165] : memref<128x128xf32, #tpu.memory_space<vmem>>[vector<16xi32>, vector<16xi32>], vector<16xf32>,
        tpu.vector_store_idx %arg8[%add3A_87, %add3A_165], %gather3A_166 : memref<128x128xf32, #tpu.memory_space<vmem>>[vector<16xi32>, vector<16xi32>], vector<16xf32>,
      }
      %dma_wait3A_52 = arith.constant 0 : i32
      %dma_wait3A_53 = tpu.memref_slice %arg5[%add3A_24, %dma_wait3A_52] : memref<32x128xi32, #tpu.memory_space<vmem>> -> memref<1x128xi32, #tpu.memory_space<vmem>>
      %dma_wait3A_54 = tpu.memref_squeeze %dma_wait3A_53 : memref<1x128xi32, #tpu.memory_space<vmem>> -> memref<128xi32, #tpu.memory_space<vmem>>
      %dma_wait3A_55 = arith.constant 0 : i32
      %dma_wait3A_56 = arith.constant 0 : i32
      %dma_wait3A_57 = tpu.memref_slice %arg2[%dma_wait3A_55, %dma_wait3A_56] : memref<1000000x128xf32, #tpu.memory_space<hbm>> -> memref<1000000x128xf32, #tpu.memory_space<hbm>>
      tpu.wait_indirect_dma semaphore(%arg10 : memref<!tpu.dma_semaphore, #tpu.memory_space<semaphore_mem>>) src(%dma_wait3A_57 : memref<1000000x128xf32, #tpu.memory_space<hbm>>) dst(%arg7 : memref<128x128xf32, #tpu.memory_space<vmem>>)
      %lt3A = arith.constant 31 : i32
      %lt3A_58 = arith.cmpi slt, %add3A_24, %lt3A : i32
      %convert_element_type3A = arith.extui %lt3A_58 : i1 to i32
      %cond3A = arith.constant 0 : i32
      %cond3A_59 = arith.cmpi ne, %convert_element_type3A, %cond3A : i32
      scf.if %cond3A_59 {
        %add3A_83 = arith.constant 1 : i32
        %add3A_84 = arith.addi %add3A_24, %add3A_83 : i32
        %dma_start3A_85 = arith.constant 0 : i32
        %dma_start3A_86 = tpu.memref_slice %arg5[%add3A_84, %dma_start3A_85] : memref<32x128xi32, #tpu.memory_space<vmem>> -> memref<1x128xi32, #tpu.memory_space<vmem>>
        %dma_start3A_87 = tpu.memref_squeeze %dma_start3A_86 : memref<1x128xi32, #tpu.memory_space<vmem>> -> memref<128xi32, #tpu.memory_space<vmem>>
        %dma_start3A_88 = arith.constant 0 : i32
        %dma_start3A_89 = arith.constant 0 : i32
        %dma_start3A_90 = tpu.memref_slice %arg2[%dma_start3A_88, %dma_start3A_89] : memref<1000000x128xf32, #tpu.memory_space<hbm>> -> memref<1000000x128xf32, #tpu.memory_space<hbm>>
        tpu.enqueue_indirect_dma source(%dma_start3A_90 : memref<1000000x128xf32, #tpu.memory_space<hbm>>) target(%arg6 : memref<128x128xf32, #tpu.memory_space<vmem>>) offsets(%dma_start3A_87 : memref<128xi32, #tpu.memory_space<vmem>>) semaphore(%arg9 : memref<!tpu.dma_semaphore, #tpu.memory_space<semaphore_mem>>)
      } else {
      }
      %div3A_60 = arith.constant 8 : i32
      %div3A_61 = arith.divsi %add3A_24, %div3A_60 : i32
      %mul3A_62 = arith.constant 8 : i32
      %mul3A_63 = arith.muli %div3A_61, %mul3A_62 : i32
      %sub3A_64 = arith.subi %add3A_24, %mul3A_63 : i32
      %mul3A_65 = arith.constant 16 : i32
      %mul3A_66 = arith.muli %sub3A_64, %mul3A_65 : i32
      %while3A_67 = arith.constant 0 : i32
      %while3A_68 = arith.constant 0 : i32
      %while3A_69 = arith.constant 8 : i32
      %while3A_70 = arith.subi %while3A_69, %while3A_68 : i32
      %while3A_71 = arith.addi %while3A_68, %while3A_70 : i32
      %while3A_72 = arith.constant 1 : i32
      %while3A_73 = arith.divsi %while3A_70, %while3A_72 : i32
      %while3A_74 = arith.muli %while3A_73, %while3A_72 : i32
      %while3A_75 = arith.addi %while3A_68, %while3A_74 : i32
      %while3A_76 = arith.constant 1 : i32
      scf.for %while3A_83 = %while3A_68 to %while3A_75 step %while3A_76  : i32 {
        %mul3A_84 = arith.constant 16 : i32
        %mul3A_85 = arith.muli %while3A_83, %mul3A_84 : i32
        %iota3A = tpu.iota {dimensions = array<i32: 0>} : vector<16xi32>
        %add3A_86 = vector.broadcast %mul3A_85 : i32 to vector<16xi32>
        %add3A_87 = arith.addi %add3A_86, %iota3A : vector<16xi32>
        %add3A_88 = arith.constant 0 : i32
        %add3A_89 = arith.addi %mul3A_66, %add3A_88 : i32
        %add3A_90 = vector.broadcast %add3A_89 : i32 to vector<16xi32>
        %add3A_91 = arith.addi %add3A_90, %broadcast_in_dim3A_3 : vector<16xi32>
        %gather3A = tpu.vector_load_idx %arg7[%add3A_87, %add3A_91] : memref<128x128xf32, #tpu.memory_space<vmem>>[vector<16xi32>, vector<16xi32>], vector<16xf32>,
        tpu.vector_store_idx %arg8[%add3A_87, %add3A_91], %gather3A : memref<128x128xf32, #tpu.memory_space<vmem>>[vector<16xi32>, vector<16xi32>], vector<16xf32>,
        %add3A_92 = arith.constant 1 : i32
        %add3A_93 = arith.addi %mul3A_66, %add3A_92 : i32
        %add3A_94 = vector.broadcast %add3A_93 : i32 to vector<16xi32>
        %add3A_95 = arith.addi %add3A_94, %broadcast_in_dim3A_3 : vector<16xi32>
        %gather3A_96 = tpu.vector_load_idx %arg7[%add3A_87, %add3A_95] : memref<128x128xf32, #tpu.memory_space<vmem>>[vector<16xi32>, vector<16xi32>], vector<16xf32>,
        tpu.vector_store_idx %arg8[%add3A_87, %add3A_95], %gather3A_96 : memref<128x128xf32, #tpu.memory_space<vmem>>[vector<16xi32>, vector<16xi32>], vector<16xf32>,
        %add3A_97 = arith.constant 2 : i32
        %add3A_98 = arith.addi %mul3A_66, %add3A_97 : i32
        %add3A_99 = vector.broadcast %add3A_98 : i32 to vector<16xi32>
        %add3A_100 = arith.addi %add3A_99, %broadcast_in_dim3A_3 : vector<16xi32>
        %gather3A_101 = tpu.vector_load_idx %arg7[%add3A_87, %add3A_100] : memref<128x128xf32, #tpu.memory_space<vmem>>[vector<16xi32>, vector<16xi32>], vector<16xf32>,
        tpu.vector_store_idx %arg8[%add3A_87, %add3A_100], %gather3A_101 : memref<128x128xf32, #tpu.memory_space<vmem>>[vector<16xi32>, vector<16xi32>], vector<16xf32>,
        %add3A_102 = arith.constant 3 : i32
        %add3A_103 = arith.addi %mul3A_66, %add3A_102 : i32
        %add3A_104 = vector.broadcast %add3A_103 : i32 to vector<16xi32>
        %add3A_105 = arith.addi %add3A_104, %broadcast_in_dim3A_3 : vector<16xi32>
        %gather3A_106 = tpu.vector_load_idx %arg7[%add3A_87, %add3A_105] : memref<128x128xf32, #tpu.memory_space<vmem>>[vector<16xi32>, vector<16xi32>], vector<16xf32>,
        tpu.vector_store_idx %arg8[%add3A_87, %add3A_105], %gather3A_106 : memref<128x128xf32, #tpu.memory_space<vmem>>[vector<16xi32>, vector<16xi32>], vector<16xf32>,
        %add3A_107 = arith.constant 4 : i32
        %add3A_108 = arith.addi %mul3A_66, %add3A_107 : i32
        %add3A_109 = vector.broadcast %add3A_108 : i32 to vector<16xi32>
        %add3A_110 = arith.addi %add3A_109, %broadcast_in_dim3A_3 : vector<16xi32>
        %gather3A_111 = tpu.vector_load_idx %arg7[%add3A_87, %add3A_110] : memref<128x128xf32, #tpu.memory_space<vmem>>[vector<16xi32>, vector<16xi32>], vector<16xf32>,
        tpu.vector_store_idx %arg8[%add3A_87, %add3A_110], %gather3A_111 : memref<128x128xf32, #tpu.memory_space<vmem>>[vector<16xi32>, vector<16xi32>], vector<16xf32>,
        %add3A_112 = arith.constant 5 : i32
        %add3A_113 = arith.addi %mul3A_66, %add3A_112 : i32
        %add3A_114 = vector.broadcast %add3A_113 : i32 to vector<16xi32>
        %add3A_115 = arith.addi %add3A_114, %broadcast_in_dim3A_3 : vector<16xi32>
        %gather3A_116 = tpu.vector_load_idx %arg7[%add3A_87, %add3A_115] : memref<128x128xf32, #tpu.memory_space<vmem>>[vector<16xi32>, vector<16xi32>], vector<16xf32>,
        tpu.vector_store_idx %arg8[%add3A_87, %add3A_115], %gather3A_116 : memref<128x128xf32, #tpu.memory_space<vmem>>[vector<16xi32>, vector<16xi32>], vector<16xf32>,
        %add3A_117 = arith.constant 6 : i32
        %add3A_118 = arith.addi %mul3A_66, %add3A_117 : i32
        %add3A_119 = vector.broadcast %add3A_118 : i32 to vector<16xi32>
        %add3A_120 = arith.addi %add3A_119, %broadcast_in_dim3A_3 : vector<16xi32>
        %gather3A_121 = tpu.vector_load_idx %arg7[%add3A_87, %add3A_120] : memref<128x128xf32, #tpu.memory_space<vmem>>[vector<16xi32>, vector<16xi32>], vector<16xf32>,
        tpu.vector_store_idx %arg8[%add3A_87, %add3A_120], %gather3A_121 : memref<128x128xf32, #tpu.memory_space<vmem>>[vector<16xi32>, vector<16xi32>], vector<16xf32>,
        %add3A_122 = arith.constant 7 : i32
        %add3A_123 = arith.addi %mul3A_66, %add3A_122 : i32
        %add3A_124 = vector.broadcast %add3A_123 : i32 to vector<16xi32>
        %add3A_125 = arith.addi %add3A_124, %broadcast_in_dim3A_3 : vector<16xi32>
        %gather3A_126 = tpu.vector_load_idx %arg7[%add3A_87, %add3A_125] : memref<128x128xf32, #tpu.memory_space<vmem>>[vector<16xi32>, vector<16xi32>], vector<16xf32>,
        tpu.vector_store_idx %arg8[%add3A_87, %add3A_125], %gather3A_126 : memref<128x128xf32, #tpu.memory_space<vmem>>[vector<16xi32>, vector<16xi32>], vector<16xf32>,
        %add3A_127 = arith.constant 8 : i32
        %add3A_128 = arith.addi %mul3A_66, %add3A_127 : i32
        %add3A_129 = vector.broadcast %add3A_128 : i32 to vector<16xi32>
        %add3A_130 = arith.addi %add3A_129, %broadcast_in_dim3A_3 : vector<16xi32>
        %gather3A_131 = tpu.vector_load_idx %arg7[%add3A_87, %add3A_130] : memref<128x128xf32, #tpu.memory_space<vmem>>[vector<16xi32>, vector<16xi32>], vector<16xf32>,
        tpu.vector_store_idx %arg8[%add3A_87, %add3A_130], %gather3A_131 : memref<128x128xf32, #tpu.memory_space<vmem>>[vector<16xi32>, vector<16xi32>], vector<16xf32>,
        %add3A_132 = arith.constant 9 : i32
        %add3A_133 = arith.addi %mul3A_66, %add3A_132 : i32
        %add3A_134 = vector.broadcast %add3A_133 : i32 to vector<16xi32>
        %add3A_135 = arith.addi %add3A_134, %broadcast_in_dim3A_3 : vector<16xi32>
        %gather3A_136 = tpu.vector_load_idx %arg7[%add3A_87, %add3A_135] : memref<128x128xf32, #tpu.memory_space<vmem>>[vector<16xi32>, vector<16xi32>], vector<16xf32>,
        tpu.vector_store_idx %arg8[%add3A_87, %add3A_135], %gather3A_136 : memref<128x128xf32, #tpu.memory_space<vmem>>[vector<16xi32>, vector<16xi32>], vector<16xf32>,
        %add3A_137 = arith.constant 10 : i32
        %add3A_138 = arith.addi %mul3A_66, %add3A_137 : i32
        %add3A_139 = vector.broadcast %add3A_138 : i32 to vector<16xi32>
        %add3A_140 = arith.addi %add3A_139, %broadcast_in_dim3A_3 : vector<16xi32>
        %gather3A_141 = tpu.vector_load_idx %arg7[%add3A_87, %add3A_140] : memref<128x128xf32, #tpu.memory_space<vmem>>[vector<16xi32>, vector<16xi32>], vector<16xf32>,
        tpu.vector_store_idx %arg8[%add3A_87, %add3A_140], %gather3A_141 : memref<128x128xf32, #tpu.memory_space<vmem>>[vector<16xi32>, vector<16xi32>], vector<16xf32>,
        %add3A_142 = arith.constant 11 : i32
        %add3A_143 = arith.addi %mul3A_66, %add3A_142 : i32
        %add3A_144 = vector.broadcast %add3A_143 : i32 to vector<16xi32>
        %add3A_145 = arith.addi %add3A_144, %broadcast_in_dim3A_3 : vector<16xi32>
        %gather3A_146 = tpu.vector_load_idx %arg7[%add3A_87, %add3A_145] : memref<128x128xf32, #tpu.memory_space<vmem>>[vector<16xi32>, vector<16xi32>], vector<16xf32>,
        tpu.vector_store_idx %arg8[%add3A_87, %add3A_145], %gather3A_146 : memref<128x128xf32, #tpu.memory_space<vmem>>[vector<16xi32>, vector<16xi32>], vector<16xf32>,
        %add3A_147 = arith.constant 12 : i32
        %add3A_148 = arith.addi %mul3A_66, %add3A_147 : i32
        %add3A_149 = vector.broadcast %add3A_148 : i32 to vector<16xi32>
        %add3A_150 = arith.addi %add3A_149, %broadcast_in_dim3A_3 : vector<16xi32>
        %gather3A_151 = tpu.vector_load_idx %arg7[%add3A_87, %add3A_150] : memref<128x128xf32, #tpu.memory_space<vmem>>[vector<16xi32>, vector<16xi32>], vector<16xf32>,
        tpu.vector_store_idx %arg8[%add3A_87, %add3A_150], %gather3A_151 : memref<128x128xf32, #tpu.memory_space<vmem>>[vector<16xi32>, vector<16xi32>], vector<16xf32>,
        %add3A_152 = arith.constant 13 : i32
        %add3A_153 = arith.addi %mul3A_66, %add3A_152 : i32
        %add3A_154 = vector.broadcast %add3A_153 : i32 to vector<16xi32>
        %add3A_155 = arith.addi %add3A_154, %broadcast_in_dim3A_3 : vector<16xi32>
        %gather3A_156 = tpu.vector_load_idx %arg7[%add3A_87, %add3A_155] : memref<128x128xf32, #tpu.memory_space<vmem>>[vector<16xi32>, vector<16xi32>], vector<16xf32>,
        tpu.vector_store_idx %arg8[%add3A_87, %add3A_155], %gather3A_156 : memref<128x128xf32, #tpu.memory_space<vmem>>[vector<16xi32>, vector<16xi32>], vector<16xf32>,
        %add3A_157 = arith.constant 14 : i32
        %add3A_158 = arith.addi %mul3A_66, %add3A_157 : i32
        %add3A_159 = vector.broadcast %add3A_158 : i32 to vector<16xi32>
        %add3A_160 = arith.addi %add3A_159, %broadcast_in_dim3A_3 : vector<16xi32>
        %gather3A_161 = tpu.vector_load_idx %arg7[%add3A_87, %add3A_160] : memref<128x128xf32, #tpu.memory_space<vmem>>[vector<16xi32>, vector<16xi32>], vector<16xf32>,
        tpu.vector_store_idx %arg8[%add3A_87, %add3A_160], %gather3A_161 : memref<128x128xf32, #tpu.memory_space<vmem>>[vector<16xi32>, vector<16xi32>], vector<16xf32>,
        %add3A_162 = arith.constant 15 : i32
        %add3A_163 = arith.addi %mul3A_66, %add3A_162 : i32
        %add3A_164 = vector.broadcast %add3A_163 : i32 to vector<16xi32>
        %add3A_165 = arith.addi %add3A_164, %broadcast_in_dim3A_3 : vector<16xi32>
        %gather3A_166 = tpu.vector_load_idx %arg7[%add3A_87, %add3A_165] : memref<128x128xf32, #tpu.memory_space<vmem>>[vector<16xi32>, vector<16xi32>], vector<16xf32>,
        tpu.vector_store_idx %arg8[%add3A_87, %add3A_165], %gather3A_166 : memref<128x128xf32, #tpu.memory_space<vmem>>[vector<16xi32>, vector<16xi32>], vector<16xf32>,
      }
      %while3A_77 = arith.constant 1 : i32
      scf.for %while3A_83 = %while3A_75 to %while3A_71 step %while3A_77  : i32 {
        %mul3A_84 = arith.constant 16 : i32
        %mul3A_85 = arith.muli %while3A_83, %mul3A_84 : i32
        %iota3A = tpu.iota {dimensions = array<i32: 0>} : vector<16xi32>
        %add3A_86 = vector.broadcast %mul3A_85 : i32 to vector<16xi32>
        %add3A_87 = arith.addi %add3A_86, %iota3A : vector<16xi32>
        %add3A_88 = arith.constant 0 : i32
        %add3A_89 = arith.addi %mul3A_66, %add3A_88 : i32
        %add3A_90 = vector.broadcast %add3A_89 : i32 to vector<16xi32>
        %add3A_91 = arith.addi %add3A_90, %broadcast_in_dim3A_3 : vector<16xi32>
        %gather3A = tpu.vector_load_idx %arg7[%add3A_87, %add3A_91] : memref<128x128xf32, #tpu.memory_space<vmem>>[vector<16xi32>, vector<16xi32>], vector<16xf32>,
        tpu.vector_store_idx %arg8[%add3A_87, %add3A_91], %gather3A : memref<128x128xf32, #tpu.memory_space<vmem>>[vector<16xi32>, vector<16xi32>], vector<16xf32>,
        %add3A_92 = arith.constant 1 : i32
        %add3A_93 = arith.addi %mul3A_66, %add3A_92 : i32
        %add3A_94 = vector.broadcast %add3A_93 : i32 to vector<16xi32>
        %add3A_95 = arith.addi %add3A_94, %broadcast_in_dim3A_3 : vector<16xi32>
        %gather3A_96 = tpu.vector_load_idx %arg7[%add3A_87, %add3A_95] : memref<128x128xf32, #tpu.memory_space<vmem>>[vector<16xi32>, vector<16xi32>], vector<16xf32>,
        tpu.vector_store_idx %arg8[%add3A_87, %add3A_95], %gather3A_96 : memref<128x128xf32, #tpu.memory_space<vmem>>[vector<16xi32>, vector<16xi32>], vector<16xf32>,
        %add3A_97 = arith.constant 2 : i32
        %add3A_98 = arith.addi %mul3A_66, %add3A_97 : i32
        %add3A_99 = vector.broadcast %add3A_98 : i32 to vector<16xi32>
        %add3A_100 = arith.addi %add3A_99, %broadcast_in_dim3A_3 : vector<16xi32>
        %gather3A_101 = tpu.vector_load_idx %arg7[%add3A_87, %add3A_100] : memref<128x128xf32, #tpu.memory_space<vmem>>[vector<16xi32>, vector<16xi32>], vector<16xf32>,
        tpu.vector_store_idx %arg8[%add3A_87, %add3A_100], %gather3A_101 : memref<128x128xf32, #tpu.memory_space<vmem>>[vector<16xi32>, vector<16xi32>], vector<16xf32>,
        %add3A_102 = arith.constant 3 : i32
        %add3A_103 = arith.addi %mul3A_66, %add3A_102 : i32
        %add3A_104 = vector.broadcast %add3A_103 : i32 to vector<16xi32>
        %add3A_105 = arith.addi %add3A_104, %broadcast_in_dim3A_3 : vector<16xi32>
        %gather3A_106 = tpu.vector_load_idx %arg7[%add3A_87, %add3A_105] : memref<128x128xf32, #tpu.memory_space<vmem>>[vector<16xi32>, vector<16xi32>], vector<16xf32>,
        tpu.vector_store_idx %arg8[%add3A_87, %add3A_105], %gather3A_106 : memref<128x128xf32, #tpu.memory_space<vmem>>[vector<16xi32>, vector<16xi32>], vector<16xf32>,
        %add3A_107 = arith.constant 4 : i32
        %add3A_108 = arith.addi %mul3A_66, %add3A_107 : i32
        %add3A_109 = vector.broadcast %add3A_108 : i32 to vector<16xi32>
        %add3A_110 = arith.addi %add3A_109, %broadcast_in_dim3A_3 : vector<16xi32>
        %gather3A_111 = tpu.vector_load_idx %arg7[%add3A_87, %add3A_110] : memref<128x128xf32, #tpu.memory_space<vmem>>[vector<16xi32>, vector<16xi32>], vector<16xf32>,
        tpu.vector_store_idx %arg8[%add3A_87, %add3A_110], %gather3A_111 : memref<128x128xf32, #tpu.memory_space<vmem>>[vector<16xi32>, vector<16xi32>], vector<16xf32>,
        %add3A_112 = arith.constant 5 : i32
        %add3A_113 = arith.addi %mul3A_66, %add3A_112 : i32
        %add3A_114 = vector.broadcast %add3A_113 : i32 to vector<16xi32>
        %add3A_115 = arith.addi %add3A_114, %broadcast_in_dim3A_3 : vector<16xi32>
        %gather3A_116 = tpu.vector_load_idx %arg7[%add3A_87, %add3A_115] : memref<128x128xf32, #tpu.memory_space<vmem>>[vector<16xi32>, vector<16xi32>], vector<16xf32>,
        tpu.vector_store_idx %arg8[%add3A_87, %add3A_115], %gather3A_116 : memref<128x128xf32, #tpu.memory_space<vmem>>[vector<16xi32>, vector<16xi32>], vector<16xf32>,
        %add3A_117 = arith.constant 6 : i32
        %add3A_118 = arith.addi %mul3A_66, %add3A_117 : i32
        %add3A_119 = vector.broadcast %add3A_118 : i32 to vector<16xi32>
        %add3A_120 = arith.addi %add3A_119, %broadcast_in_dim3A_3 : vector<16xi32>
        %gather3A_121 = tpu.vector_load_idx %arg7[%add3A_87, %add3A_120] : memref<128x128xf32, #tpu.memory_space<vmem>>[vector<16xi32>, vector<16xi32>], vector<16xf32>,
        tpu.vector_store_idx %arg8[%add3A_87, %add3A_120], %gather3A_121 : memref<128x128xf32, #tpu.memory_space<vmem>>[vector<16xi32>, vector<16xi32>], vector<16xf32>,
        %add3A_122 = arith.constant 7 : i32
        %add3A_123 = arith.addi %mul3A_66, %add3A_122 : i32
        %add3A_124 = vector.broadcast %add3A_123 : i32 to vector<16xi32>
        %add3A_125 = arith.addi %add3A_124, %broadcast_in_dim3A_3 : vector<16xi32>
        %gather3A_126 = tpu.vector_load_idx %arg7[%add3A_87, %add3A_125] : memref<128x128xf32, #tpu.memory_space<vmem>>[vector<16xi32>, vector<16xi32>], vector<16xf32>,
        tpu.vector_store_idx %arg8[%add3A_87, %add3A_125], %gather3A_126 : memref<128x128xf32, #tpu.memory_space<vmem>>[vector<16xi32>, vector<16xi32>], vector<16xf32>,
        %add3A_127 = arith.constant 8 : i32
        %add3A_128 = arith.addi %mul3A_66, %add3A_127 : i32
        %add3A_129 = vector.broadcast %add3A_128 : i32 to vector<16xi32>
        %add3A_130 = arith.addi %add3A_129, %broadcast_in_dim3A_3 : vector<16xi32>
        %gather3A_131 = tpu.vector_load_idx %arg7[%add3A_87, %add3A_130] : memref<128x128xf32, #tpu.memory_space<vmem>>[vector<16xi32>, vector<16xi32>], vector<16xf32>,
        tpu.vector_store_idx %arg8[%add3A_87, %add3A_130], %gather3A_131 : memref<128x128xf32, #tpu.memory_space<vmem>>[vector<16xi32>, vector<16xi32>], vector<16xf32>,
        %add3A_132 = arith.constant 9 : i32
        %add3A_133 = arith.addi %mul3A_66, %add3A_132 : i32
        %add3A_134 = vector.broadcast %add3A_133 : i32 to vector<16xi32>
        %add3A_135 = arith.addi %add3A_134, %broadcast_in_dim3A_3 : vector<16xi32>
        %gather3A_136 = tpu.vector_load_idx %arg7[%add3A_87, %add3A_135] : memref<128x128xf32, #tpu.memory_space<vmem>>[vector<16xi32>, vector<16xi32>], vector<16xf32>,
        tpu.vector_store_idx %arg8[%add3A_87, %add3A_135], %gather3A_136 : memref<128x128xf32, #tpu.memory_space<vmem>>[vector<16xi32>, vector<16xi32>], vector<16xf32>,
        %add3A_137 = arith.constant 10 : i32
        %add3A_138 = arith.addi %mul3A_66, %add3A_137 : i32
        %add3A_139 = vector.broadcast %add3A_138 : i32 to vector<16xi32>
        %add3A_140 = arith.addi %add3A_139, %broadcast_in_dim3A_3 : vector<16xi32>
        %gather3A_141 = tpu.vector_load_idx %arg7[%add3A_87, %add3A_140] : memref<128x128xf32, #tpu.memory_space<vmem>>[vector<16xi32>, vector<16xi32>], vector<16xf32>,
        tpu.vector_store_idx %arg8[%add3A_87, %add3A_140], %gather3A_141 : memref<128x128xf32, #tpu.memory_space<vmem>>[vector<16xi32>, vector<16xi32>], vector<16xf32>,
        %add3A_142 = arith.constant 11 : i32
        %add3A_143 = arith.addi %mul3A_66, %add3A_142 : i32
        %add3A_144 = vector.broadcast %add3A_143 : i32 to vector<16xi32>
        %add3A_145 = arith.addi %add3A_144, %broadcast_in_dim3A_3 : vector<16xi32>
        %gather3A_146 = tpu.vector_load_idx %arg7[%add3A_87, %add3A_145] : memref<128x128xf32, #tpu.memory_space<vmem>>[vector<16xi32>, vector<16xi32>], vector<16xf32>,
        tpu.vector_store_idx %arg8[%add3A_87, %add3A_145], %gather3A_146 : memref<128x128xf32, #tpu.memory_space<vmem>>[vector<16xi32>, vector<16xi32>], vector<16xf32>,
        %add3A_147 = arith.constant 12 : i32
        %add3A_148 = arith.addi %mul3A_66, %add3A_147 : i32
        %add3A_149 = vector.broadcast %add3A_148 : i32 to vector<16xi32>
        %add3A_150 = arith.addi %add3A_149, %broadcast_in_dim3A_3 : vector<16xi32>
        %gather3A_151 = tpu.vector_load_idx %arg7[%add3A_87, %add3A_150] : memref<128x128xf32, #tpu.memory_space<vmem>>[vector<16xi32>, vector<16xi32>], vector<16xf32>,
        tpu.vector_store_idx %arg8[%add3A_87, %add3A_150], %gather3A_151 : memref<128x128xf32, #tpu.memory_space<vmem>>[vector<16xi32>, vector<16xi32>], vector<16xf32>,
        %add3A_152 = arith.constant 13 : i32
        %add3A_153 = arith.addi %mul3A_66, %add3A_152 : i32
        %add3A_154 = vector.broadcast %add3A_153 : i32 to vector<16xi32>
        %add3A_155 = arith.addi %add3A_154, %broadcast_in_dim3A_3 : vector<16xi32>
        %gather3A_156 = tpu.vector_load_idx %arg7[%add3A_87, %add3A_155] : memref<128x128xf32, #tpu.memory_space<vmem>>[vector<16xi32>, vector<16xi32>], vector<16xf32>,
        tpu.vector_store_idx %arg8[%add3A_87, %add3A_155], %gather3A_156 : memref<128x128xf32, #tpu.memory_space<vmem>>[vector<16xi32>, vector<16xi32>], vector<16xf32>,
        %add3A_157 = arith.constant 14 : i32
        %add3A_158 = arith.addi %mul3A_66, %add3A_157 : i32
        %add3A_159 = vector.broadcast %add3A_158 : i32 to vector<16xi32>
        %add3A_160 = arith.addi %add3A_159, %broadcast_in_dim3A_3 : vector<16xi32>
        %gather3A_161 = tpu.vector_load_idx %arg7[%add3A_87, %add3A_160] : memref<128x128xf32, #tpu.memory_space<vmem>>[vector<16xi32>, vector<16xi32>], vector<16xf32>,
        tpu.vector_store_idx %arg8[%add3A_87, %add3A_160], %gather3A_161 : memref<128x128xf32, #tpu.memory_space<vmem>>[vector<16xi32>, vector<16xi32>], vector<16xf32>,
        %add3A_162 = arith.constant 15 : i32
        %add3A_163 = arith.addi %mul3A_66, %add3A_162 : i32
        %add3A_164 = vector.broadcast %add3A_163 : i32 to vector<16xi32>
        %add3A_165 = arith.addi %add3A_164, %broadcast_in_dim3A_3 : vector<16xi32>
        %gather3A_166 = tpu.vector_load_idx %arg7[%add3A_87, %add3A_165] : memref<128x128xf32, #tpu.memory_space<vmem>>[vector<16xi32>, vector<16xi32>], vector<16xf32>,
        tpu.vector_store_idx %arg8[%add3A_87, %add3A_165], %gather3A_166 : memref<128x128xf32, #tpu.memory_space<vmem>>[vector<16xi32>, vector<16xi32>], vector<16xf32>,
      }
      %rem3A = arith.constant 8 : i32
      %rem3A_78 = arith.remsi %add3A_24, %rem3A : i32
      %eq3A = arith.constant 7 : i32
      %eq3A_79 = arith.cmpi eq, %rem3A_78, %eq3A : i32
      %convert_element_type3A_80 = arith.extui %eq3A_79 : i1 to i32
      %cond3A_81 = arith.constant 0 : i32
      %cond3A_82 = arith.cmpi ne, %convert_element_type3A_80, %cond3A_81 : i32
      scf.if %cond3A_82 {
        %div3A_83 = arith.constant 8 : i32
        %div3A_84 = arith.divsi %add3A_24, %div3A_83 : i32
        %mul3A_85 = arith.constant 128 : i32
        %mul3A_86 = arith.muli %div3A_84, %mul3A_85 : i32
        %add3A_87 = arith.addi %mul3A_2, %mul3A_86 : i32
        "tpu.region"() ({
          %run_scoped3A = tpu.sem_alloc : memref<!tpu.dma_semaphore, #tpu.memory_space<semaphore_mem>>
          %dma_start3A_88 = arith.constant 0 : i32
          %dma_start3A_89 = tpu.memref_slice %arg4[%add3A_87, %dma_start3A_88] : memref<16384x128xf32, #tpu.memory_space<hbm>> -> memref<128x128xf32, #tpu.memory_space<hbm>>
          %dma_start3A_90 = arith.constant 0 : i32
          %dma_start3A_91 = tpu.memref_slice %arg4[%add3A_87, %dma_start3A_90] : memref<16384x128xf32, #tpu.memory_space<hbm>> -> memref<128x128xf32, #tpu.memory_space<hbm>>
          tpu.enqueue_dma source(%arg8 : memref<128x128xf32, #tpu.memory_space<vmem>>) target(%dma_start3A_91 : memref<128x128xf32, #tpu.memory_space<hbm>>) target_semaphore(%run_scoped3A : memref<!tpu.dma_semaphore, #tpu.memory_space<semaphore_mem>>)
          %dma_wait3A_92 = arith.constant 0 : i32
          %dma_wait3A_93 = tpu.memref_slice %arg4[%add3A_87, %dma_wait3A_92] : memref<16384x128xf32, #tpu.memory_space<hbm>> -> memref<128x128xf32, #tpu.memory_space<hbm>>
          %dma_wait3A_94 = arith.constant 0 : i32
          %dma_wait3A_95 = tpu.memref_slice %arg4[%add3A_87, %dma_wait3A_94] : memref<16384x128xf32, #tpu.memory_space<hbm>> -> memref<128x128xf32, #tpu.memory_space<hbm>>
          tpu.wait_dma2 semaphore(%run_scoped3A : memref<!tpu.dma_semaphore, #tpu.memory_space<semaphore_mem>>) src(%arg8 : memref<128x128xf32, #tpu.memory_space<vmem>>) dst(%dma_wait3A_95 : memref<128x128xf32, #tpu.memory_space<hbm>>)
          tpu.yield
        }) : () -> ()
      } else {
      }
    }
    return
  }
}

module attributes {stable_mosaic.version = 14 : i64} {
  func.func @_tr_body(%arg0: i32, %arg1: memref<8x16x16384xf32, #tpu.memory_space<vmem>>, %arg2: memref<16384x128xf32, #tpu.memory_space<vmem>>) attributes {dimension_semantics = [#tpu.dimension_semantics<arbitrary>], iteration_bounds = array<i64: 62>, scalar_prefetch = 0 : i64, scratch_operands = 0 : i64, tpu.core_type = #tpu.core_type<tc>, window_params = [{transform_indices = @transform_0, window_bounds = array<i64: 8, 16, 16384>}, {transform_indices = @transform_1, window_bounds = array<i64: 16384, 128>}]} {
    %get3A = arith.constant 0 : index
    %get3A_0 = arith.constant 0 : index
    %get3A_1 = arith.constant 0 : index
    %get3A_2 = vector.load %arg1[%get3A, %get3A_0, %get3A_1] : memref<8x16x16384xf32, #tpu.memory_space<vmem>>, vector<8x16x16384xf32>
    %reshape3A = vector.shape_cast %get3A_2 : vector<8x16x16384xf32> to vector<128x16384xf32>
    %transpose3A = tpu.transpose %reshape3A, [1, 0] : vector<128x16384xf32> -> vector<16384x128xf32>
    %swap3A = arith.constant 0 : index
    %swap3A_3 = arith.constant 0 : index
    %swap3A_4 = vector.load %arg2[%swap3A, %swap3A_3] : memref<16384x128xf32, #tpu.memory_space<vmem>>, vector<16384x128xf32>
    tpu.vector_store %arg2[%swap3A, %swap3A_3], %transpose3A {strides = array<i32>} : memref<16384x128xf32, #tpu.memory_space<vmem>>, vector<16384x128xf32>,
    return
  }
  func.func @transform_0(%arg0: i32) -> (i32, i32, i32) {
    %c0_i32 = arith.constant 0 : i32
    %c0_i32_0 = arith.constant 0 : i32
    %c0_i32_1 = arith.constant 0 : i32
    return %c0_i32, %c0_i32_0, %arg0 : i32, i32, i32
  }
  func.func @transform_1(%arg0: i32) -> (i32, i32) {
    %c0_i32 = arith.constant 0 : i32
    %c0_i32_0 = arith.constant 0 : i32
    return %arg0, %c0_i32 : i32, i32
  }
}

module attributes {stable_mosaic.version = 14 : i64} {
  func.func @_tc_body(%arg0: i32, %arg1: i32, %arg2: memref<1x1024x128xf32, #tpu.memory_space<vmem>>, %arg3: memref<1x1024x1024xf32, #tpu.memory_space<vmem>>, %arg4: memref<128x1024xf32, #tpu.memory_space<vmem>>, %arg5: memref<128x1024xf32, #tpu.memory_space<vmem>>, %arg6: memref<1x1024xf32, #tpu.memory_space<vmem>>, %arg7: memref<1x1024xf32, #tpu.memory_space<vmem>>, %arg8: memref<1x1024xf32, #tpu.memory_space<vmem>>, %arg9: memref<1x1024xf32, #tpu.memory_space<vmem>>, %arg10: memref<4x1024xf32, #tpu.memory_space<vmem>>, %arg11: memref<1x1024x1024xf32, #tpu.memory_space<vmem>>, %arg12: memref<8x1024xf32, #tpu.memory_space<vmem>>) attributes {dimension_semantics = [#tpu.dimension_semantics<arbitrary>, #tpu.dimension_semantics<arbitrary>], iteration_bounds = array<i64: 4, 4>, scalar_prefetch = 0 : i64, scratch_operands = 1 : i64, tpu.core_type = #tpu.core_type<tc>, window_params = [{transform_indices = @transform_0, window_bounds = array<i64: 1, 1024, 128>}, {transform_indices = @transform_1, window_bounds = array<i64: 1, 1024, 1024>}, {pipeline_mode = #tpu.pipeline_mode<synchronous>, transform_indices = @transform_2, window_bounds = array<i64: 128, 1024>}, {pipeline_mode = #tpu.pipeline_mode<synchronous>, transform_indices = @transform_3, window_bounds = array<i64: 128, 1024>}, {pipeline_mode = #tpu.pipeline_mode<synchronous>, transform_indices = @transform_4, window_bounds = array<i64: 1, 1024>}, {pipeline_mode = #tpu.pipeline_mode<synchronous>, transform_indices = @transform_5, window_bounds = array<i64: 1, 1024>}, {pipeline_mode = #tpu.pipeline_mode<synchronous>, transform_indices = @transform_6, window_bounds = array<i64: 1, 1024>}, {pipeline_mode = #tpu.pipeline_mode<synchronous>, transform_indices = @transform_7, window_bounds = array<i64: 1, 1024>}, {pipeline_mode = #tpu.pipeline_mode<synchronous>, transform_indices = @transform_8, window_bounds = array<i64: 4, 1024>}, {transform_indices = @transform_9, window_bounds = array<i64: 1, 1024, 1024>}]} {
    %get3A = arith.constant 0 : index
    %get3A_0 = arith.constant 0 : index
    %get3A_1 = arith.constant 0 : index
    %get3A_2 = vector.load %arg2[%get3A, %get3A_0, %get3A_1] : memref<1x1024x128xf32, #tpu.memory_space<vmem>>, vector<1x1024x128xf32>
    %get3A_3 = vector.shape_cast %get3A_2 : vector<1x1024x128xf32> to vector<1024x128xf32>
    %get3A_4 = arith.constant 0 : index
    %get3A_5 = arith.constant 0 : index
    %get3A_6 = arith.constant 0 : index
    %get3A_7 = vector.load %arg3[%get3A_4, %get3A_5, %get3A_6] : memref<1x1024x1024xf32, #tpu.memory_space<vmem>>, vector<1x1024x1024xf32>
    %get3A_8 = vector.shape_cast %get3A_7 : vector<1x1024x1024xf32> to vector<1024x1024xf32>
    %get3A_9 = arith.constant 0 : index
    %get3A_10 = arith.constant 0 : index
    %get3A_11 = vector.load %arg4[%get3A_9, %get3A_10] : memref<128x1024xf32, #tpu.memory_space<vmem>>, vector<128x1024xf32>
    %dot_general3A = arith.constant dense<0.000000e+00> : vector<1024x1024xf32>
    %dot_general3A_12 = tpu.matmul %get3A_3, %get3A_11, %dot_general3A {dimension_numbers = #tpu.dot_dimension_numbers<[1], [0], [0], [1], [0, 0, 1, 1], [], []>, transpose_lhs_hint = false} : vector<1024x128xf32>, vector<128x1024xf32>, vector<1024x1024xf32> -> vector<1024x1024xf32>
    %get3A_13 = arith.constant 0 : index
    %get3A_14 = arith.constant 0 : index
    %get3A_15 = vector.load %arg6[%get3A_13, %get3A_14] : memref<1x1024xf32, #tpu.memory_space<vmem>>, vector<1x1024xf32>
    %get3A_16 = vector.shape_cast %get3A_15 : vector<1x1024xf32> to vector<1024xf32>
    %broadcast_in_dim3A = vector.shape_cast %get3A_16 : vector<1024xf32> to vector<1x1024xf32>
    %add3A = vector.broadcast %broadcast_in_dim3A : vector<1x1024xf32> to vector<1024x1024xf32>
    %add3A_17 = arith.addf %dot_general3A_12, %add3A : vector<1024x1024xf32>
    %mul3A = arith.mulf %add3A_17, %add3A_17 : vector<1024x1024xf32>
    %reduce_sum3A = arith.constant dense<0.000000e+00> : vector<1024xf32>
    %reduce_sum3A_18 = vector.multi_reduction <add>, %mul3A, %reduce_sum3A [1] : vector<1024x1024xf32> to vector<1024xf32>
    %broadcast_in_dim3A_19 = vector.shape_cast %reduce_sum3A_18 : vector<1024xf32> to vector<1024x1xf32>
    %div3A = arith.constant 1.024000e+03 : f32
    %div3A_20 = vector.broadcast %div3A : f32 to vector<1024x1xf32>
    %div3A_21 = arith.divf %broadcast_in_dim3A_19, %div3A_20 : vector<1024x1xf32>
    %add3A_22 = arith.constant 9.99999997E-7 : f32
    %add3A_23 = vector.broadcast %add3A_22 : f32 to vector<1024x1xf32>
    %add3A_24 = arith.addf %div3A_21, %add3A_23 : vector<1024x1xf32>
    %rsqrt3A = math.rsqrt %add3A_24 : vector<1024x1xf32>
    %mul3A_25 = arith.mulf %get3A_8, %get3A_8 : vector<1024x1024xf32>
    %reduce_sum3A_26 = arith.constant dense<0.000000e+00> : vector<1024xf32>
    %reduce_sum3A_27 = vector.multi_reduction <add>, %mul3A_25, %reduce_sum3A_26 [1] : vector<1024x1024xf32> to vector<1024xf32>
    %broadcast_in_dim3A_28 = vector.shape_cast %reduce_sum3A_27 : vector<1024xf32> to vector<1024x1xf32>
    %div3A_29 = arith.constant 1.024000e+03 : f32
    %div3A_30 = vector.broadcast %div3A_29 : f32 to vector<1024x1xf32>
    %div3A_31 = arith.divf %broadcast_in_dim3A_28, %div3A_30 : vector<1024x1xf32>
    %add3A_32 = arith.constant 9.99999997E-7 : f32
    %add3A_33 = vector.broadcast %add3A_32 : f32 to vector<1024x1xf32>
    %add3A_34 = arith.addf %div3A_31, %add3A_33 : vector<1024x1xf32>
    %rsqrt3A_35 = math.rsqrt %add3A_34 : vector<1024x1xf32>
    %mul3A_36 = vector.broadcast %rsqrt3A : vector<1024x1xf32> to vector<1024x1024xf32>
    %mul3A_37 = arith.mulf %add3A_17, %mul3A_36 : vector<1024x1024xf32>
    %get3A_38 = arith.constant 0 : index
    %get3A_39 = arith.constant 0 : index
    %get3A_40 = vector.load %arg8[%get3A_38, %get3A_39] : memref<1x1024xf32, #tpu.memory_space<vmem>>, vector<1x1024xf32>
    %get3A_41 = vector.shape_cast %get3A_40 : vector<1x1024xf32> to vector<1024xf32>
    %broadcast_in_dim3A_42 = vector.shape_cast %get3A_41 : vector<1024xf32> to vector<1x1024xf32>
    %mul3A_43 = vector.broadcast %broadcast_in_dim3A_42 : vector<1x1024xf32> to vector<1024x1024xf32>
    %mul3A_44 = arith.mulf %mul3A_37, %mul3A_43 : vector<1024x1024xf32>
    %mul3A_45 = vector.broadcast %rsqrt3A_35 : vector<1024x1xf32> to vector<1024x1024xf32>
    %mul3A_46 = arith.mulf %get3A_8, %mul3A_45 : vector<1024x1024xf32>
    %get3A_47 = arith.constant 0 : index
    %get3A_48 = arith.constant 0 : index
    %get3A_49 = vector.load %arg9[%get3A_47, %get3A_48] : memref<1x1024xf32, #tpu.memory_space<vmem>>, vector<1x1024xf32>
    %get3A_50 = vector.shape_cast %get3A_49 : vector<1x1024xf32> to vector<1024xf32>
    %broadcast_in_dim3A_51 = vector.shape_cast %get3A_50 : vector<1024xf32> to vector<1x1024xf32>
    %mul3A_52 = vector.broadcast %broadcast_in_dim3A_51 : vector<1x1024xf32> to vector<1024x1024xf32>
    %mul3A_53 = arith.mulf %mul3A_46, %mul3A_52 : vector<1024x1024xf32>
    %mul3A_54 = arith.mulf %mul3A_44, %mul3A_53 : vector<1024x1024xf32>
    %reduce_sum3A_55 = arith.constant dense<0.000000e+00> : vector<1024xf32>
    %reduce_sum3A_56 = vector.multi_reduction <add>, %mul3A_54, %reduce_sum3A_55 [1] : vector<1024x1024xf32> to vector<1024xf32>
    %broadcast_in_dim3A_57 = vector.shape_cast %reduce_sum3A_56 : vector<1024xf32> to vector<1024x1xf32>
    %mul3A_58 = arith.constant 3.125000e-02 : f32
    %mul3A_59 = vector.broadcast %mul3A_58 : f32 to vector<1024x1xf32>
    %mul3A_60 = arith.mulf %broadcast_in_dim3A_57, %mul3A_59 : vector<1024x1xf32>
    %abs3A = math.absf %mul3A_60 : vector<1024x1xf32>
    %jit3A = arith.constant 9.99999997E-7 : f32
    %max3A = vector.broadcast %jit3A : f32 to vector<1024x1xf32>
    %max3A_61 = arith.maximumf %max3A, %abs3A : vector<1024x1xf32>
    %sqrt3A = math.sqrt %max3A_61 : vector<1024x1xf32>
    %lt3A = arith.constant 0.000000e+00 : f32
    %lt3A_62 = vector.broadcast %lt3A : f32 to vector<1024x1xf32>
    %lt3A_63 = arith.cmpf olt, %mul3A_60, %lt3A_62 : vector<1024x1xf32>
    %neg3A = arith.constant 0.000000e+00 : f32
    %neg3A_64 = vector.broadcast %neg3A : f32 to vector<1024x1xf32>
    %neg3A_65 = arith.subf %neg3A_64, %sqrt3A : vector<1024x1xf32>
    %gt3A = arith.constant 0.000000e+00 : f32
    %gt3A_66 = vector.broadcast %gt3A : f32 to vector<1024x1xf32>
    %gt3A_67 = arith.cmpf ogt, %mul3A_60, %gt3A_66 : vector<1024x1xf32>
    %jit3A_68 = arith.constant 0.000000e+00 : f32
    %broadcast_in_dim3A_69 = vector.broadcast %jit3A_68 : f32 to vector<1024x1xf32>
    %select_n3A = arith.select %gt3A_67, %sqrt3A, %broadcast_in_dim3A_69 : vector<1024x1xi1>, vector<1024x1xf32>
    %select_n3A_70 = arith.select %lt3A_63, %neg3A_65, %select_n3A : vector<1024x1xi1>, vector<1024x1xf32>
    %logistic3A = arith.negf %select_n3A_70 : vector<1024x1xf32>
    %logistic3A_71 = math.exp %logistic3A : vector<1024x1xf32>
    %logistic3A_72 = arith.constant 1.000000e+00 : f32
    %logistic3A_73 = vector.broadcast %logistic3A_72 : f32 to vector<1024x1xf32>
    %logistic3A_74 = arith.addf %logistic3A_73, %logistic3A_71 : vector<1024x1xf32>
    %logistic3A_75 = arith.divf %logistic3A_73, %logistic3A_74 : vector<1024x1xf32>
    %get3A_76 = arith.constant 0 : index
    %get3A_77 = arith.constant 0 : index
    %get3A_78 = vector.load %arg5[%get3A_76, %get3A_77] : memref<128x1024xf32, #tpu.memory_space<vmem>>, vector<128x1024xf32>
    %dot_general3A_79 = arith.constant dense<0.000000e+00> : vector<1024x1024xf32>
    %dot_general3A_80 = tpu.matmul %get3A_3, %get3A_78, %dot_general3A_79 {dimension_numbers = #tpu.dot_dimension_numbers<[1], [0], [0], [1], [0, 0, 1, 1], [], []>, transpose_lhs_hint = false} : vector<1024x128xf32>, vector<128x1024xf32>, vector<1024x1024xf32> -> vector<1024x1024xf32>
    %get3A_81 = arith.constant 0 : index
    %get3A_82 = arith.constant 0 : index
    %get3A_83 = vector.load %arg7[%get3A_81, %get3A_82] : memref<1x1024xf32, #tpu.memory_space<vmem>>, vector<1x1024xf32>
    %get3A_84 = vector.shape_cast %get3A_83 : vector<1x1024xf32> to vector<1024xf32>
    %broadcast_in_dim3A_85 = vector.shape_cast %get3A_84 : vector<1024xf32> to vector<1x1024xf32>
    %add3A_86 = vector.broadcast %broadcast_in_dim3A_85 : vector<1x1024xf32> to vector<1024x1024xf32>
    %add3A_87 = arith.addf %dot_general3A_80, %add3A_86 : vector<1024x1024xf32>
    %mul3A_88 = vector.broadcast %logistic3A_75 : vector<1024x1xf32> to vector<1024x1024xf32>
    %mul3A_89 = arith.mulf %mul3A_88, %add3A_87 : vector<1024x1024xf32>
    %eq3A = arith.constant 0 : i32
    %eq3A_90 = arith.cmpi eq, %arg1, %eq3A : i32
    %convert_element_type3A = arith.extui %eq3A_90 : i1 to i32
    %cond3A = arith.constant 0 : i32
    %cond3A_91 = arith.cmpi ne, %convert_element_type3A, %cond3A : i32
    scf.if %cond3A_91 {
      %broadcast_in_dim3A_140 = arith.constant 0.000000e+00 : f32
      %broadcast_in_dim3A_141 = vector.broadcast %broadcast_in_dim3A_140 : f32 to vector<8x1024xf32>
      %swap3A_142 = arith.constant 0 : index
      %swap3A_143 = arith.constant 0 : index
      %swap3A_144 = vector.load %arg12[%swap3A_142, %swap3A_143] : memref<8x1024xf32, #tpu.memory_space<vmem>>, vector<8x1024xf32>
      tpu.vector_store %arg12[%swap3A_142, %swap3A_143], %broadcast_in_dim3A_141 {strides = array<i32>} : memref<8x1024xf32, #tpu.memory_space<vmem>>, vector<8x1024xf32>,
    } else {
    }
    %get3A_92 = arith.constant 5 : index
    %get3A_93 = arith.constant 0 : index
    %get3A_94 = vector.load %arg12[%get3A_92, %get3A_93] : memref<8x1024xf32, #tpu.memory_space<vmem>>, vector<3x1024xf32>
    %concatenate3A = tpu.concatenate %get3A_94, %mul3A_89 in 0 : vector<3x1024xf32>, vector<1024x1024xf32> -> vector<1027x1024xf32>
    %get3A_95 = arith.constant 0 : index
    %get3A_96 = arith.constant 0 : index
    %get3A_97 = vector.load %arg10[%get3A_95, %get3A_96] : memref<4x1024xf32, #tpu.memory_space<vmem>>, vector<4x1024xf32>
    %slice3A = vector.extract_strided_slice %concatenate3A {offsets = [0, 0], sizes = [1024, 1024], strides = [1, 1]} : vector<1027x1024xf32> to vector<1024x1024xf32>
    %slice3A_98 = vector.extract_strided_slice %get3A_97 {offsets = [0, 0], sizes = [1, 1024], strides = [1, 1]} : vector<4x1024xf32> to vector<1x1024xf32>
    %squeeze3A = vector.shape_cast %slice3A_98 : vector<1x1024xf32> to vector<1024xf32>
    %broadcast_in_dim3A_99 = vector.shape_cast %squeeze3A : vector<1024xf32> to vector<1x1024xf32>
    %mul3A_100 = vector.broadcast %broadcast_in_dim3A_99 : vector<1x1024xf32> to vector<1024x1024xf32>
    %mul3A_101 = arith.mulf %slice3A, %mul3A_100 : vector<1024x1024xf32>
    %slice3A_102 = vector.extract_strided_slice %concatenate3A {offsets = [1, 0], sizes = [1024, 1024], strides = [1, 1]} : vector<1027x1024xf32> to vector<1024x1024xf32>
    %slice3A_103 = vector.extract_strided_slice %get3A_97 {offsets = [1, 0], sizes = [1, 1024], strides = [1, 1]} : vector<4x1024xf32> to vector<1x1024xf32>
    %squeeze3A_104 = vector.shape_cast %slice3A_103 : vector<1x1024xf32> to vector<1024xf32>
    %broadcast_in_dim3A_105 = vector.shape_cast %squeeze3A_104 : vector<1024xf32> to vector<1x1024xf32>
    %mul3A_106 = vector.broadcast %broadcast_in_dim3A_105 : vector<1x1024xf32> to vector<1024x1024xf32>
    %mul3A_107 = arith.mulf %slice3A_102, %mul3A_106 : vector<1024x1024xf32>
    %add3A_108 = arith.addf %mul3A_101, %mul3A_107 : vector<1024x1024xf32>
    %slice3A_109 = vector.extract_strided_slice %concatenate3A {offsets = [2, 0], sizes = [1024, 1024], strides = [1, 1]} : vector<1027x1024xf32> to vector<1024x1024xf32>
    %slice3A_110 = vector.extract_strided_slice %get3A_97 {offsets = [2, 0], sizes = [1, 1024], strides = [1, 1]} : vector<4x1024xf32> to vector<1x1024xf32>
    %squeeze3A_111 = vector.shape_cast %slice3A_110 : vector<1x1024xf32> to vector<1024xf32>
    %broadcast_in_dim3A_112 = vector.shape_cast %squeeze3A_111 : vector<1024xf32> to vector<1x1024xf32>
    %mul3A_113 = vector.broadcast %broadcast_in_dim3A_112 : vector<1x1024xf32> to vector<1024x1024xf32>
    %mul3A_114 = arith.mulf %slice3A_109, %mul3A_113 : vector<1024x1024xf32>
    %add3A_115 = arith.addf %add3A_108, %mul3A_114 : vector<1024x1024xf32>
    %slice3A_116 = vector.extract_strided_slice %concatenate3A {offsets = [3, 0], sizes = [1024, 1024], strides = [1, 1]} : vector<1027x1024xf32> to vector<1024x1024xf32>
    %slice3A_117 = vector.extract_strided_slice %get3A_97 {offsets = [3, 0], sizes = [1, 1024], strides = [1, 1]} : vector<4x1024xf32> to vector<1x1024xf32>
    %squeeze3A_118 = vector.shape_cast %slice3A_117 : vector<1x1024xf32> to vector<1024xf32>
    %broadcast_in_dim3A_119 = vector.shape_cast %squeeze3A_118 : vector<1024xf32> to vector<1x1024xf32>
    %mul3A_120 = vector.broadcast %broadcast_in_dim3A_119 : vector<1x1024xf32> to vector<1024x1024xf32>
    %mul3A_121 = arith.mulf %slice3A_116, %mul3A_120 : vector<1024x1024xf32>
    %add3A_122 = arith.addf %add3A_115, %mul3A_121 : vector<1024x1024xf32>
    %logistic3A_123 = arith.negf %add3A_122 : vector<1024x1024xf32>
    %logistic3A_124 = math.exp %logistic3A_123 : vector<1024x1024xf32>
    %logistic3A_125 = arith.constant 1.000000e+00 : f32
    %logistic3A_126 = vector.broadcast %logistic3A_125 : f32 to vector<1024x1024xf32>
    %logistic3A_127 = arith.addf %logistic3A_126, %logistic3A_124 : vector<1024x1024xf32>
    %logistic3A_128 = arith.divf %logistic3A_126, %logistic3A_127 : vector<1024x1024xf32>
    %mul3A_129 = arith.mulf %add3A_122, %logistic3A_128 : vector<1024x1024xf32>
    %add3A_130 = arith.addf %mul3A_89, %mul3A_129 : vector<1024x1024xf32>
    %swap3A = arith.constant 0 : index
    %swap3A_131 = arith.constant 0 : index
    %swap3A_132 = arith.constant 0 : index
    %swap3A_133 = vector.load %arg11[%swap3A, %swap3A_131, %swap3A_132] : memref<1x1024x1024xf32, #tpu.memory_space<vmem>>, vector<1x1024x1024xf32>
    %swap3A_134 = vector.shape_cast %swap3A_133 : vector<1x1024x1024xf32> to vector<1024x1024xf32>
    %swap3A_135 = vector.shape_cast %add3A_130 : vector<1024x1024xf32> to vector<1x1024x1024xf32>
    tpu.vector_store %arg11[%swap3A, %swap3A_131, %swap3A_132], %swap3A_135 {strides = array<i32>} : memref<1x1024x1024xf32, #tpu.memory_space<vmem>>, vector<1x1024x1024xf32>,
    %slice3A_136 = vector.extract_strided_slice %mul3A_89 {offsets = [1016, 0], sizes = [8, 1024], strides = [1, 1]} : vector<1024x1024xf32> to vector<8x1024xf32>
    %swap3A_137 = arith.constant 0 : index
    %swap3A_138 = arith.constant 0 : index
    %swap3A_139 = vector.load %arg12[%swap3A_137, %swap3A_138] : memref<8x1024xf32, #tpu.memory_space<vmem>>, vector<8x1024xf32>
    tpu.vector_store %arg12[%swap3A_137, %swap3A_138], %slice3A_136 {strides = array<i32>} : memref<8x1024xf32, #tpu.memory_space<vmem>>, vector<8x1024xf32>,
    return
  }
  func.func @transform_0(%arg0: i32, %arg1: i32) -> (i32, i32, i32) {
    %c0_i32 = arith.constant 0 : i32
    %c0_i32_0 = arith.constant 0 : i32
    return %arg0, %arg1, %c0_i32 : i32, i32, i32
  }
  func.func @transform_1(%arg0: i32, %arg1: i32) -> (i32, i32, i32) {
    %c0_i32 = arith.constant 0 : i32
    %c0_i32_0 = arith.constant 0 : i32
    return %arg0, %arg1, %c0_i32 : i32, i32, i32
  }
  func.func @transform_2(%arg0: i32, %arg1: i32) -> (i32, i32) {
    %c0_i32 = arith.constant 0 : i32
    %c0_i32_0 = arith.constant 0 : i32
    %c0_i32_1 = arith.constant 0 : i32
    return %c0_i32, %c0_i32_0 : i32, i32
  }
  func.func @transform_3(%arg0: i32, %arg1: i32) -> (i32, i32) {
    %c0_i32 = arith.constant 0 : i32
    %c0_i32_0 = arith.constant 0 : i32
    %c0_i32_1 = arith.constant 0 : i32
    return %c0_i32, %c0_i32_0 : i32, i32
  }
  func.func @transform_4(%arg0: i32, %arg1: i32) -> (i32, i32) {
    %c0_i32 = arith.constant 0 : i32
    %c0_i32_0 = arith.constant 0 : i32
    %c0_i32_1 = arith.constant 0 : i32
    return %c0_i32, %c0_i32_0 : i32, i32
  }
  func.func @transform_5(%arg0: i32, %arg1: i32) -> (i32, i32) {
    %c0_i32 = arith.constant 0 : i32
    %c0_i32_0 = arith.constant 0 : i32
    %c0_i32_1 = arith.constant 0 : i32
    return %c0_i32, %c0_i32_0 : i32, i32
  }
  func.func @transform_6(%arg0: i32, %arg1: i32) -> (i32, i32) {
    %c0_i32 = arith.constant 0 : i32
    %c0_i32_0 = arith.constant 0 : i32
    %c0_i32_1 = arith.constant 0 : i32
    return %c0_i32, %c0_i32_0 : i32, i32
  }
  func.func @transform_7(%arg0: i32, %arg1: i32) -> (i32, i32) {
    %c0_i32 = arith.constant 0 : i32
    %c0_i32_0 = arith.constant 0 : i32
    %c0_i32_1 = arith.constant 0 : i32
    return %c0_i32, %c0_i32_0 : i32, i32
  }
  func.func @transform_8(%arg0: i32, %arg1: i32) -> (i32, i32) {
    %c0_i32 = arith.constant 0 : i32
    %c0_i32_0 = arith.constant 0 : i32
    %c0_i32_1 = arith.constant 0 : i32
    return %c0_i32, %c0_i32_0 : i32, i32
  }
  func.func @transform_9(%arg0: i32, %arg1: i32) -> (i32, i32, i32) {
    %c0_i32 = arith.constant 0 : i32
    %c0_i32_0 = arith.constant 0 : i32
    return %arg0, %arg1, %c0_i32 : i32, i32, i32
  }
}

</mosaic_0001>

<sc_bundles>
// kernel: kernel.5.cloned.1.call-start
scs
__scs_entry_jumppad:
0x0: {  	(pc) =	sbr.rel $0x88, $3  }
0x1: {  	(tag) =	ssettag $0x0;
	lr =	simm.s32 $0x1  }
0x2: {  	[smem:$0x3F96] =	sst lr;
	_ =	strace $0xD0000000  }
0x3: {  	_ = 	snop  }
0x4: {  	_ = 	snop  }
0x5: {  	_ = 	snop  }
0x6: {  	_ = 	snop  }
0x7: {  	_ = 	snop  }
__scs_overlays_trampoline_lowered:
0x8: {  	[smem:$0x3FA5] =	sst s0  }
0x9: {  	[smem:$0x3FA6] =	sst s1  }
0xa: {  	[smem:$0x3FA7] =	sst s2  }
0xb: {  	[smem:$0x3FA8] =	sst s3  }
0xc: {  	[smem:$0x3FA9] =	sst s4  }
0xd: {  	[smem:$0x3FAA] =	sst s5  }
0xe: {  	[smem:$0x3FAB] =	sst s6  }
0xf: {  	[smem:$0x3FAC] =	sst s7  }
0x10: {  	[smem:$0x3FAD] =	sst s8  }
0x11: {  	[smem:$0x3FAE] =	sst s9;
	s0 =	simm.s32 @!p0 $0x0  }
0x12: {  	s1 =	sld [smem:$0x3F94];
	s0 =	simm.s32 @p0 $0x1  }
0x13: {  	[smem:$0x3FAF] =	sst s0;
	s0 =	simm.s32 @!p1 $0x0  }
0x14: {  	s2 =	sld [smem:$0x3F93];
	s0 =	simm.s32 @p1 $0x1  }
0x15: {  	[smem:$0x3FB0] =	sst s0;
	s0 =	simm.s32 @!p2 $0x0  }
0x16: {  	s3 =	sld [smem:$0x3FDB];
	s0 =	simm.s32 @p2 $0x1  }
0x17: {  	s4 =	simm.s32 $0x1BF5;
	[smem:$0x3FB2] =	sst s0  }
0x18: {  	s0 =	sld [smem:$0x3F95];
	_ =	swait.ge [sflag:s4], $0x0  }
0x19: {  	s7 =	sld [smem:$0x3F96]  }
0x1a: {  	s8 =	sadd.s32 $0xFFFFE003, lr  }
0x1b: {  	s9 =	sadd.s32 $0xFFFFFEF7, lr;
	s5 =	simm.s32 $0xFFFFFFFF;
	p2 =	slt.u32 s8, $0xFFFFF086  }
0x1c: {  	p1 =	slt.u32 s9, $0xF7A;
	s5 =	simm.s32 @!p2 $0x0  }
0x1d: {  	s5 =	simm.s32 @p1 $0x1;
	p0 =	seq.s32 s7, s2  }
0x1e: {  	s7 =	smul.u32 @!p0 $0xF7A, s2;
	p2 =	seq.s32 @!p0 s5, $0x0  }
0x1f: {  	s9 =	smul.u32 $0xF7A, s1;
	s8 =	simm.s32 @!p0 $0x1BF5;
	p2 =	por !p2, p0  }
0x20: {  	[sflag:s8] =	ssyncset.s32 @!p0 $0xFFFFF086;
	s6 =	sadd.s32 @!p0 s3, s7;
	s7 =	simm.s32 @!p0 $0x108  }
0x21: {  	s3 =	sadd.s32 s3, s9;
	s6 =	sadd.s32 @!p0 $0x88, s6;
	s7 =	simm.s32 @p2 $0x1082  }
0x22: {  	[simem:s7], [sflag:s8] =	dma.local @!p0 [hbm:s6], $0xF7A  }
0x23: {  	s9 =	sor.u32 $0xD0000000, s2;
	s6 =	simm.s32 $0x108;
	_ =	swait.ge @!p0 [sflag:s8], $0x0  }
0x24: {  	s3 =	sadd.s32 $0x88, s3;
	s6 =	simm.s32 @!p1 $0x1082;
	[sflag:s4] =	ssyncset.s32 $0xFFFFF086  }
0x25: {  	[simem:s6], [sflag:s4] =	dma.local [hbm:s3], $0xF7A  }
0x26: {  	[smem:$0x3F96] =	sst s1;
	(tag) =	ssettag s2;
	_ =	strace s9  }
0x27: {  	s1 =	sld [smem:$0x3FA6]  }
0x28: {  	s2 =	sld [smem:$0x3FA7]  }
0x29: {  	s4 =	sld [smem:$0x3FA9]  }
0x2a: {  	p0 =	seq.s32 s5, $0x0;
	s5 =	sld [smem:$0x3FAA]  }
0x2b: {  	s6 =	sld [smem:$0x3FAB]  }
0x2c: {  	s7 =	sld [smem:$0x3FAC]  }
0x2d: {  	s3 =	simm.s32 $0x108;
	s8 =	sld [smem:$0x3FAD]  }
0x2e: {  	s3 =	simm.s32 @!p0 $0x1082;
	s9 =	sld [smem:$0x3FAE]  }
0x2f: {  	lr =	sadd.s32 s0, s3;
	s0 =	sld [smem:$0x3FA5]  }
0x30: {  	s3 =	sld [smem:$0x3FA8]  }
0x31: {  	[smem:$0x3FB1] =	sst s10  }
0x32: {  	s10 =	sld [smem:$0x3FAF];
	_ =	sdelay $0x3  }
0x33: {  	p0 =	seq.s32 s10, $0x1;
	s10 =	sld [smem:$0x3FB1];
	_ =	sdelay $0x3  }
0x34: {  	[smem:$0x3FB1] =	sst s10  }
0x35: {  	s10 =	sld [smem:$0x3FB0];
	_ =	sdelay $0x3  }
0x36: {  	p1 =	seq.s32 s10, $0x1;
	s10 =	sld [smem:$0x3FB1];
	_ =	sdelay $0x3  }
0x37: {  	[smem:$0x3FB1] =	sst s10  }
0x38: {  	s10 =	sld [smem:$0x3FB2]  }
0x39: {  	_ = 	snop;
	(pc) =	sbr.ind lr, $3  }
0x3a: {  	_ = 	snop  }
0x3b: {  	_ = 	snop  }
0x3c: {  	p2 =	seq.s32 s10, $0x1;
	s10 =	sld [smem:$0x3FB1]  }
0x3d: {  	_ =	shalt  }
0x3e: {  	_ =	shalt  }
0x3f: {  	_ =	shalt  }
0x40: {  	_ =	shalt  }
0x41: {  	_ =	shalt  }
0x42: {  	_ =	shalt  }
0x43: {  	_ =	shalt  }
0x44: {  	_ =	shalt  }
0x45: {  	_ =	shalt  }
0x46: {  	_ =	shalt  }
0x47: {  	_ =	shalt  }
0x48: {  	_ =	shalt  }
0x49: {  	_ =	shalt  }
0x4a: {  	_ =	shalt  }
0x4b: {  	_ =	shalt  }
0x4c: {  	_ =	shalt  }
0x4d: {  	_ =	shalt  }
0x4e: {  	_ =	shalt  }
0x4f: {  	_ =	shalt  }
0x50: {  	_ =	shalt  }
0x51: {  	_ =	shalt  }
0x52: {  	_ =	shalt  }
0x53: {  	_ =	shalt  }
0x54: {  	_ =	shalt  }
0x55: {  	_ =	shalt  }
0x56: {  	_ =	shalt  }
0x57: {  	_ =	shalt  }
0x58: {  	_ =	shalt  }
0x59: {  	_ =	shalt  }
0x5a: {  	_ =	shalt  }
0x5b: {  	_ =	shalt  }
0x5c: {  	_ =	shalt  }
0x5d: {  	_ =	shalt  }
0x5e: {  	_ =	shalt  }
0x5f: {  	_ =	shalt  }
0x60: {  	_ =	shalt  }
0x61: {  	_ =	shalt  }
0x62: {  	_ =	shalt  }
0x63: {  	_ =	shalt  }
0x64: {  	_ =	shalt  }
0x65: {  	_ =	shalt  }
0x66: {  	_ =	shalt  }
0x67: {  	_ =	shalt  }
0x68: {  	_ =	shalt  }
0x69: {  	_ =	shalt  }
0x6a: {  	_ =	shalt  }
0x6b: {  	_ =	shalt  }
0x6c: {  	_ =	shalt  }
0x6d: {  	_ =	shalt  }
0x6e: {  	_ =	shalt  }
0x6f: {  	_ =	shalt  }
0x70: {  	_ =	shalt  }
0x71: {  	_ =	shalt  }
0x72: {  	_ =	shalt  }
0x73: {  	_ =	shalt  }
0x74: {  	_ =	shalt  }
0x75: {  	_ =	shalt  }
0x76: {  	_ =	shalt  }
0x77: {  	_ =	shalt  }
0x78: {  	_ =	shalt  }
0x79: {  	_ =	shalt  }
0x7a: {  	_ =	shalt  }
0x7b: {  	_ =	shalt  }
0x7c: {  	_ =	shalt  }
0x7d: {  	_ =	shalt  }
0x7e: {  	_ =	shalt  }
0x7f: {  	_ =	shalt  }
0x80: {  	_ =	shalt  }
0x81: {  	_ =	shalt  }
0x82: {  	_ =	shalt  }
0x83: {  	_ =	shalt  }
0x84: {  	_ =	shalt  }
0x85: {  	_ =	shalt  }
0x86: {  	_ =	shalt  }
0x87: {  	_ =	shalt  }
.Lfunc_end0:
.L_simem_size_0:
called_computation_lowered:
.L_overlay_start_0:
0x88: {  	s2 =	sld [smem:$0x3FD9]  }
0x89: {  	s3 =	sld [smem:$0x3FFE];
	_ =	sdelay $0x1  }
0x8a: {  	s1 =	srdreg.scid  }
0x8b: {  	s0 =	sand.u32 $0x1, s1  }
0x8c: {  	s17 =	sshll.u32 s0, $0xA;
	s2 =	sadd.s32 s3, s2  }
0x8d: {  	s2 =	sadd.s32 s2, s17  }
0x8e: {  	[smem:$0x3FBD] =	sst s2  }
0x8f: {  	_ = 	snop  }
0x90: {  	s2 =	sld [smem:$0x3FD0];
	(tm) =	ssettm $0x1  }
0x91: {  	s18 =	sld [smem:$0x3FFB];
	_ =	sdelay $0x3  }
0x92: {  	_ =	strace s18  }
0x93: {  	s3 =	sld [smem:$0x3FFC];
	_ =	sdelay $0x3  }
0x94: {  	_ =	strace s3  }
0x95: {  	s3 =	sld [smem:$0x3FFD];
	_ =	sdelay $0x3  }
0x96: {  	_ =	strace s3  }
0x97: {  	_ =	strace $0x8FFFFFFF  }
0x98: {  	s19 =	sld [smem:$0x3FDB];
	_ =	sdelay $0x1  }
0x99: {  	s4 =	simm.s32 $_scs_section_size  }
0x9a: {  	s5 =	simm.s32 $_size__tile_overlayer_lowered;
	s6 =	simm.s32 $_tile_overlayer_lowered  }
0x9b: {  	s22 =	simm.s32 $0x1BFF;
	s21 =	sshll.u32 s6, $0x1;
	s3 =	sadd.s32 s4, s19  }
0x9c: {  	s7 =	simm.s32 $0x0;
	s20 =	sshll.u32 s5, $0x1;
	s5 =	sadd.s32 s21, s3  }
0x9d: {  	[timem:s7], [sflag:s22] =	dma.local [hbm:s5], s20  }
0x9e: {  	_ =	swait.ge [sflag:s22], s20  }
0x9f: {  	s4 =	ssub.s32 $0x0, s20;
	[sflag:s22] =	ssyncset.done $0x0  }
0xa0: {  	[sflag:s22] =	ssyncadd.s32 s4;
	_ =	sdelay $0x1  }
0xa1: {  	s23 =	simm.s32 $0x1B8B  }
0xa2: {  	_ =	swait.ge [sflag:s23], $0x1  }
0xa3: {  	[sflag:s23] =	ssyncset.done $0x0  }
0xa4: {  	s25 =	simm.s32 $0x1B8E;
	s24 =	sld [smem:$0x3FFE];
	[sflag:s23] =	ssyncadd.s32 $0xFFFFFFFF  }
0xa5: {  	s26 =	simm.s32 $execute0_lowered;
	[smem:$0x3FD2] =	sst s25  }
0xa6: {  	s5 =	sshll.u32 s26, $0x1;
	_ =	strace $0x80000046;
	[dreg:$0x1] =	wrdreg $0xFFFFFFFF  }
0xa7: {  	s28 =	simm.s32 $_size_execute0_lowered;
	s3 =	sadd.s32 s3, s5;
	[dreg:$0x0] =	wrdreg $0x0  }
0xa8: {  	s5 =	sshll.u32 s28, $0x1;
	[dreg:$0x2] =	wrdreg s3  }
0xa9: {  	[dreg:$0x3] =	wrdreg s5  }
0xaa: {  	[dreg:$0x4] =	wrdreg $0xC0  }
0xab: {  	_ =	task [dreg:s7], $0x5FFFF  }
0xac: {  	[dreg:$0x1] =	wrdreg $0xFFFFFFFF  }
0xad: {  	[dreg:$0x0] =	wrdreg $0x60  }
0xae: {  	[dreg:$0x2] =	wrdreg s24  }
0xaf: {  	[dreg:$0x3] =	wrdreg s2  }
0xb0: {  	[dreg:$0x4] =	wrdreg $0x9  }
0xb1: {  	_ =	task.clear_ibuf [dreg:s7], $0x5FFFF;
	_ =	strace $0x90000046  }
0xb2: {  	s29 =	simm.s32 $0x9;
	_ =	strace $0x80000048  }
0xb3: {  	_ =	swait.ge [sflag:s29], $0x1  }
0xb4: {  	[sflag:s29] =	ssyncadd.s32 $0xFFFFFFFF  }
0xb5: {  	_ =	strace $0x90000048  }
0xb6: {  	_ =	sfence  }
0xb7: {  	s30 =	sld [smem:$0x0];
	_ =	sdelay $0x2  }
0xb8: {  	s31 =	sshll.u32 s1, $0xD;
	s1 =	sshrl.u32 s1, $0x2  }
0xb9: {  	s3 =	sand.u32 $0x4000, s31;
	s1 =	sadd.s32 s1, s30  }
0xba: {  	s0 =	sor.u32 s3, s0;
	s1 =	sshll.u32 s1, $0x11  }
0xbb: {  	s0 =	sor.u32 s1, s0  }
0xbc: {  	s0 =	sadd.s32 $0x8F2B, s0  }
0xbd: {  	[sflag:s0] =	ssyncadd.remote.s32 $0x1  }
0xbe: {  	_ =	sfence.sel $0xFFFF  }
0xbf: {  	[dreg:$0x0] =	wrdreg $0xFFFFFFFF;
	(pc) =	sbr.abs _section_cstart, $3  }
0xc0: {  	[dreg:$0x1] =	wrdreg $0xFFFFFFFF  }
0xc1: {  	_ =	task.clear_ibuf [dreg:s7], $0x2FFFF;
	_ =	strace $0x9FFFFFFF  }
0xc2: {  	(tm) =	ssettm $0x7FFFFFFF  }
0xc3: {  	_ =	shalt  }
tec
execute0_lowered:
.L_overlay_start_1:
0x0: {  	(tag) =	ssettag $0x1  }
0x1: {  	s4 =	rddreg [dreg:$0x0]  }
0x2: {  	s5 =	rddreg [dreg:$0x1]  }
0x3: {  	s0 =	rddreg [dreg:$0x2];
	s2 =	simm.s32 $0x0;
	s3 =	srdreg.scid  }
0x4: {  	s1 =	stileid.u32;
	s9 =	simm.s32 $0x1000;
	s10 =	simm.s32 $0x1  }
0x5: {  	s11 =	simm.s32 $0x5000;
	s12 =	simm.s32 $0x9000;
	s13 =	simm.s32 $0x2  }
0x6: {  	s14 =	simm.s32 $0x0;
	s6 =	sand.u32 $0x1, s3;
	s30 =	sshll.u32 s1, $0x1  }
0x7: {  	[smem:$0x7FF] =	sst s2;
	s3 =	sadd.s32 $0x5E00, s4;
	s7 =	sor.u32 s6, s30  }
0x8: {  	_ =	strace $0x80000047;
	s6 =	ssub.s32 $0x2, s6;
	s8 =	sshll.u32 s7, $0x9  }
0x9: {  	s31 =	sshrl.u32 s6, $0x1;
	s7 =	sshll.u32 s7, $0xD;
	s4 =	sadd.s32 s8, s4  }
0xa: {  	v0 =	vlaneseq.u32;
	s6 =	ssub.s32 s6, s31;
	s5 =	sadd.s32 s5, s7;
	s7 =	simm.s32 $0x3  }
0xb: {  	v0 =	vmul.u32 $0x80, v0;
	s8 =	simm.s32 $0x80;
	s4 =	sadd.s32 $0x1E00, s4;
	s6 =	smax.u32 s6, $0x1  }
.LBB2_1:
0xc: {  	[tilespmem:s2], [sflag:$0x3] =	stream.linear.gather [hbm4b:s4+s2], $0x1000, $0x38;
	[tilespmem:$0xD000] =	vst v63  }
0xd: {  	_ =	swait.ge [sflag:s7], $0x1000  }
0xe: {  	[sflag:s7] =	ssyncset.done $0x0  }
0xf: {  	s15 =	simm.s32 $0x0;
	[sflag:s7] =	ssyncadd.s32 $0xFFFFF000  }
0x10: {  	[tilespmem:s9], [sflag:$0x1] =	stream.indirect.gather [hbm4b:s3+s8], $0x80, s2, s8, $0xb8;
	[tilespmem:$0xD000] =	vst v63  }
.LBB2_2:
0x11: {  	s17 =	sshll.u32 s15, $0x5  }
0x12: {  	s16 =	simm.s32 $0x0;
	v1 =	vmov s17  }
0x13: {  	v2 =	vmov s16;
	v1 =	vand.u32 $0x60, v1  }
0x14: {  	v2 =	vshll.u32 v2, $0x7;
	v1 =	vbroadcast v1, $0x0  }
0x15: {  	v17 =	vor.u32 v0, v2  }
0x16: {  	v4 =	vor.u32 v1, v17  }
0x17: {  	_ =	swait.ge [sflag:s10], $0x4000;
	s16 =	sshllo.u32 s15, $0x1;
	s18 =	sor.u32 $0x1, s17  }
0x18: {  	[sflag:s10] =	ssyncset.done $0x0;
	s29 =	sshll.u32 s16, $0x7;
	v2 =	vmov s18  }
0x19: {  	[sflag:s10] =	ssyncadd.s32 $0xFFFFC000;
	s18 =	sand.u32 $0x3FFFFF80, s29;
	v2 =	vand.u32 $0x61, v2  }
0x1a: {  	[tilespmem:s11], [sflag:$0x2] =	stream.indirect.gather [hbm4b:s3+s8], $0x80, s18, s8, $0xb8;
	v2 =	vbroadcast v2, $0x0;
	[tilespmem:$0xD000] =	vst v63  }
0x1b: {  	v5 =	vld.idx.msk [tilespmem:v4+s9+$0x0], $0xffff  }
0x1c: {  	v6 =	vor.u32 v2, v17  }
0x1d: {  	s30 =	sor.u32 $0x2, s17  }
0x1e: {  	v3 =	vmov s30  }
0x1f: {  	v3 =	vand.u32 $0x62, v3  }
0x20: {  	v3 =	vbroadcast v3, $0x0;
	[tilespmem:v4+s12+$0x0] =	vst.idx.msk $0xffff, v5  }
0x21: {  	v5 =	vld.idx.msk [tilespmem:v6+s9+$0x0], $0xffff  }
0x22: {  	v7 =	vor.u32 v3, v17  }
0x23: {  	s31 =	sor.u32 $0x3, s17  }
0x24: {  	v4 =	vmov s31  }
0x25: {  	v4 =	vand.u32 $0x63, v4  }
0x26: {  	v4 =	vbroadcast v4, $0x0;
	[tilespmem:v6+s12+$0x0] =	vst.idx.msk $0xffff, v5  }
0x27: {  	v6 =	vld.idx.msk [tilespmem:v7+s9+$0x0], $0xffff  }
0x28: {  	v8 =	vor.u32 v4, v17  }
0x29: {  	s19 =	sor.u32 $0x4, s17  }
0x2a: {  	v5 =	vmov s19  }
0x2b: {  	v5 =	vand.u32 $0x64, v5  }
0x2c: {  	v5 =	vbroadcast v5, $0x0;
	[tilespmem:v7+s12+$0x0] =	vst.idx.msk $0xffff, v6  }
0x2d: {  	v7 =	vld.idx.msk [tilespmem:v8+s9+$0x0], $0xffff  }
0x2e: {  	v9 =	vor.u32 v5, v17  }
0x2f: {  	s20 =	sor.u32 $0x5, s17  }
0x30: {  	v6 =	vmov s20  }
0x31: {  	v6 =	vand.u32 $0x65, v6  }
0x32: {  	v6 =	vbroadcast v6, $0x0;
	[tilespmem:v8+s12+$0x0] =	vst.idx.msk $0xffff, v7  }
0x33: {  	v8 =	vld.idx.msk [tilespmem:v9+s9+$0x0], $0xffff  }
0x34: {  	v10 =	vor.u32 v6, v17  }
0x35: {  	s21 =	sor.u32 $0x6, s17  }
0x36: {  	v7 =	vmov s21  }
0x37: {  	v7 =	vand.u32 $0x66, v7  }
0x38: {  	v7 =	vbroadcast v7, $0x0;
	[tilespmem:v9+s12+$0x0] =	vst.idx.msk $0xffff, v8  }
0x39: {  	v9 =	vld.idx.msk [tilespmem:v10+s9+$0x0], $0xffff  }
0x3a: {  	v11 =	vor.u32 v7, v17  }
0x3b: {  	s22 =	sor.u32 $0x7, s17  }
0x3c: {  	v8 =	vmov s22  }
0x3d: {  	v8 =	vand.u32 $0x67, v8  }
0x3e: {  	v8 =	vbroadcast v8, $0x0;
	[tilespmem:v10+s12+$0x0] =	vst.idx.msk $0xffff, v9  }
0x3f: {  	v10 =	vld.idx.msk [tilespmem:v11+s9+$0x0], $0xffff  }
0x40: {  	v12 =	vor.u32 v8, v17  }
0x41: {  	s23 =	sor.u32 $0x8, s17  }
0x42: {  	v9 =	vmov s23  }
0x43: {  	v9 =	vand.u32 $0x68, v9  }
0x44: {  	v9 =	vbroadcast v9, $0x0;
	[tilespmem:v11+s12+$0x0] =	vst.idx.msk $0xffff, v10  }
0x45: {  	v11 =	vld.idx.msk [tilespmem:v12+s9+$0x0], $0xffff  }
0x46: {  	v13 =	vor.u32 v9, v17  }
0x47: {  	s24 =	sor.u32 $0x9, s17  }
0x48: {  	v10 =	vmov s24  }
0x49: {  	v10 =	vand.u32 $0x69, v10  }
0x4a: {  	v10 =	vbroadcast v10, $0x0;
	[tilespmem:v12+s12+$0x0] =	vst.idx.msk $0xffff, v11  }
0x4b: {  	v12 =	vld.idx.msk [tilespmem:v13+s9+$0x0], $0xffff  }
0x4c: {  	v14 =	vor.u32 v10, v17  }
0x4d: {  	s25 =	sor.u32 $0xA, s17  }
0x4e: {  	v11 =	vmov s25  }
0x4f: {  	v11 =	vand.u32 $0x6A, v11  }
0x50: {  	v11 =	vbroadcast v11, $0x0;
	[tilespmem:v13+s12+$0x0] =	vst.idx.msk $0xffff, v12  }
0x51: {  	v13 =	vld.idx.msk [tilespmem:v14+s9+$0x0], $0xffff  }
0x52: {  	v15 =	vor.u32 v11, v17  }
0x53: {  	s26 =	sor.u32 $0xB, s17  }
0x54: {  	v12 =	vmov s26  }
0x55: {  	v12 =	vand.u32 $0x6B, v12  }
0x56: {  	v12 =	vbroadcast v12, $0x0;
	[tilespmem:v14+s12+$0x0] =	vst.idx.msk $0xffff, v13  }
0x57: {  	v14 =	vld.idx.msk [tilespmem:v15+s9+$0x0], $0xffff  }
0x58: {  	v16 =	vor.u32 v12, v17  }
0x59: {  	s28 =	sor.u32 $0xC, s17  }
0x5a: {  	v13 =	vmov s28  }
0x5b: {  	v13 =	vand.u32 $0x6C, v13  }
0x5c: {  	v13 =	vbroadcast v13, $0x0;
	[tilespmem:v15+s12+$0x0] =	vst.idx.msk $0xffff, v14  }
0x5d: {  	v15 =	vld.idx.msk [tilespmem:v16+s9+$0x0], $0xffff  }
0x5e: {  	v18 =	vor.u32 v13, v17  }
0x5f: {  	s29 =	sor.u32 $0xD, s17  }
0x60: {  	v14 =	vmov s29  }
0x61: {  	v14 =	vand.u32 $0x6D, v14  }
0x62: {  	v14 =	vbroadcast v14, $0x0;
	[tilespmem:v16+s12+$0x0] =	vst.idx.msk $0xffff, v15  }
0x63: {  	v16 =	vld.idx.msk [tilespmem:v18+s9+$0x0], $0xffff  }
0x64: {  	v19 =	vor.u32 v14, v17;
	_ =	sdelay $0x2  }
0x65: {  	s30 =	sor.u32 $0xE, s17  }
0x66: {  	v15 =	vmov s30;
	[tilespmem:v18+s12+$0x0] =	vst.idx.msk $0xffff, v16  }
0x67: {  	v15 =	vand.u32 $0x6E, v15;
	v16 =	vld.idx.msk [tilespmem:v19+s9+$0x0], $0xffff  }
0x68: {  	v15 =	vbroadcast v15, $0x0;
	_ =	sdelay $0x1  }
0x69: {  	v20 =	vor.u32 v15, v17  }
0x6a: {  	s17 =	sor.u32 $0xF, s17  }
0x6b: {  	[tilespmem:v19+s12+$0x0] =	vst.idx.msk $0xffff, v16;
	v16 =	vmov s17  }
0x6c: {  	v16 =	vand.u32 $0x6F, v16  }
0x6d: {  	v16 =	vbroadcast v16, $0x0  }
0x6e: {  	v19 =	vld.idx.msk [tilespmem:v20+s9+$0x0], $0xffff  }
0x6f: {  	v18 =	vor.u32 v16, v17;
	_ =	sdelay $0x2  }
0x70: {  	s31 =	simm.s32 $0x10  }
0x71: {  	s17 =	simm.s32 $0x20;
	v17 =	vmov s31;
	[tilespmem:v20+s12+$0x0] =	vst.idx.msk $0xffff, v19  }
.LBB2_3:
0x72: {  	p0 =	sne.s32 s17, $0x70;
	v17 =	vshll.u32 v17, $0x7;
	v19 =	vld.idx.msk [tilespmem:v18+s9+$0x0], $0xffff  }
0x73: {  	v17 =	vor.u32 v0, v17  }
0x74: {  	v20 =	vor.u32 v1, v17;
	_ =	sdelay $0x3  }
0x75: {  	[tilespmem:v18+s12+$0x0] =	vst.idx.msk $0xffff, v19  }
0x76: {  	v18 =	vld.idx.msk [tilespmem:v20+s9+$0x0], $0xffff;
	_ =	sdelay $0x1  }
0x77: {  	v19 =	vor.u32 v2, v17;
	_ =	sdelay $0x3  }
0x78: {  	[tilespmem:v20+s12+$0x0] =	vst.idx.msk $0xffff, v18  }
0x79: {  	v18 =	vld.idx.msk [tilespmem:v19+s9+$0x0], $0xffff;
	_ =	sdelay $0x1  }
0x7a: {  	v20 =	vor.u32 v3, v17;
	_ =	sdelay $0x3  }
0x7b: {  	[tilespmem:v19+s12+$0x0] =	vst.idx.msk $0xffff, v18  }
0x7c: {  	v18 =	vld.idx.msk [tilespmem:v20+s9+$0x0], $0xffff;
	_ =	sdelay $0x1  }
0x7d: {  	v19 =	vor.u32 v4, v17;
	_ =	sdelay $0x3  }
0x7e: {  	[tilespmem:v20+s12+$0x0] =	vst.idx.msk $0xffff, v18  }
0x7f: {  	v18 =	vld.idx.msk [tilespmem:v19+s9+$0x0], $0xffff;
	_ =	sdelay $0x1  }
0x80: {  	v20 =	vor.u32 v5, v17;
	_ =	sdelay $0x3  }
0x81: {  	[tilespmem:v19+s12+$0x0] =	vst.idx.msk $0xffff, v18  }
0x82: {  	v18 =	vld.idx.msk [tilespmem:v20+s9+$0x0], $0xffff;
	_ =	sdelay $0x1  }
0x83: {  	v19 =	vor.u32 v6, v17;
	_ =	sdelay $0x3  }
0x84: {  	[tilespmem:v20+s12+$0x0] =	vst.idx.msk $0xffff, v18  }
0x85: {  	v18 =	vld.idx.msk [tilespmem:v19+s9+$0x0], $0xffff;
	_ =	sdelay $0x1  }
0x86: {  	v20 =	vor.u32 v7, v17;
	_ =	sdelay $0x3  }
0x87: {  	[tilespmem:v19+s12+$0x0] =	vst.idx.msk $0xffff, v18  }
0x88: {  	v18 =	vld.idx.msk [tilespmem:v20+s9+$0x0], $0xffff;
	_ =	sdelay $0x1  }
0x89: {  	v19 =	vor.u32 v8, v17;
	_ =	sdelay $0x3  }
0x8a: {  	[tilespmem:v20+s12+$0x0] =	vst.idx.msk $0xffff, v18  }
0x8b: {  	v18 =	vld.idx.msk [tilespmem:v19+s9+$0x0], $0xffff;
	_ =	sdelay $0x1  }
0x8c: {  	v20 =	vor.u32 v9, v17;
	_ =	sdelay $0x3  }
0x8d: {  	[tilespmem:v19+s12+$0x0] =	vst.idx.msk $0xffff, v18  }
0x8e: {  	v18 =	vld.idx.msk [tilespmem:v20+s9+$0x0], $0xffff;
	_ =	sdelay $0x1  }
0x8f: {  	v19 =	vor.u32 v10, v17;
	_ =	sdelay $0x3  }
0x90: {  	[tilespmem:v20+s12+$0x0] =	vst.idx.msk $0xffff, v18  }
0x91: {  	v18 =	vld.idx.msk [tilespmem:v19+s9+$0x0], $0xffff;
	_ =	sdelay $0x1  }
0x92: {  	v20 =	vor.u32 v11, v17;
	_ =	sdelay $0x3  }
0x93: {  	[tilespmem:v19+s12+$0x0] =	vst.idx.msk $0xffff, v18  }
0x94: {  	v18 =	vld.idx.msk [tilespmem:v20+s9+$0x0], $0xffff;
	_ =	sdelay $0x1  }
0x95: {  	v19 =	vor.u32 v12, v17;
	_ =	sdelay $0x3  }
0x96: {  	[tilespmem:v20+s12+$0x0] =	vst.idx.msk $0xffff, v18  }
0x97: {  	v18 =	vld.idx.msk [tilespmem:v19+s9+$0x0], $0xffff;
	_ =	sdelay $0x1  }
0x98: {  	v20 =	vor.u32 v13, v17;
	_ =	sdelay $0x3  }
0x99: {  	[tilespmem:v19+s12+$0x0] =	vst.idx.msk $0xffff, v18  }
0x9a: {  	v18 =	vld.idx.msk [tilespmem:v20+s9+$0x0], $0xffff;
	_ =	sdelay $0x1  }
0x9b: {  	v19 =	vor.u32 v14, v17;
	_ =	sdelay $0x3  }
0x9c: {  	[tilespmem:v20+s12+$0x0] =	vst.idx.msk $0xffff, v18  }
0x9d: {  	v18 =	vld.idx.msk [tilespmem:v19+s9+$0x0], $0xffff;
	_ =	sdelay $0x1  }
0x9e: {  	v20 =	vor.u32 v15, v17;
	_ =	sdelay $0x3  }
0x9f: {  	[tilespmem:v19+s12+$0x0] =	vst.idx.msk $0xffff, v18  }
0xa0: {  	v19 =	vld.idx.msk [tilespmem:v20+s9+$0x0], $0xffff;
	_ =	sdelay $0x1  }
.Ltmp0:
0xa1: {  	v18 =	vor.u32 v16, v17;
	(pc) =	sbr.rel @p0 .LBB2_3-.Ltmp0, $2  }
0xa2: {  	_ =	sdelay $0x2  }
0xa3: {  	v17 =	vmov s17;
	s17 =	sadd.s32 $0x10, s17;
	[tilespmem:v20+s12+$0x0] =	vst.idx.msk $0xffff, v19  }
0xa4: {  	_ =	sdelay $0x2  }
0xa5: {  	v17 =	vshll.u32 v17, $0x7  }
0xa6: {  	v19 =	vld.idx.msk [tilespmem:v18+s9+$0x0], $0xffff;
	v17 =	vor.u32 v0, v17  }
0xa7: {  	v1 =	vor.u32 v1, v17;
	_ =	sdelay $0x3  }
0xa8: {  	[tilespmem:v18+s12+$0x0] =	vst.idx.msk $0xffff, v19  }
0xa9: {  	v18 =	vld.idx.msk [tilespmem:v1+s9+$0x0], $0xffff  }
0xaa: {  	v2 =	vor.u32 v2, v17;
	_ =	sdelay $0x3  }
0xab: {  	[tilespmem:v1+s12+$0x0] =	vst.idx.msk $0xffff, v18  }
0xac: {  	v1 =	vld.idx.msk [tilespmem:v2+s9+$0x0], $0xffff  }
0xad: {  	v3 =	vor.u32 v3, v17;
	_ =	sdelay $0x3  }
0xae: {  	[tilespmem:v2+s12+$0x0] =	vst.idx.msk $0xffff, v1  }
0xaf: {  	v1 =	vld.idx.msk [tilespmem:v3+s9+$0x0], $0xffff  }
0xb0: {  	v2 =	vor.u32 v4, v17;
	_ =	sdelay $0x3  }
0xb1: {  	[tilespmem:v3+s12+$0x0] =	vst.idx.msk $0xffff, v1  }
0xb2: {  	v1 =	vld.idx.msk [tilespmem:v2+s9+$0x0], $0xffff  }
0xb3: {  	v3 =	vor.u32 v5, v17;
	_ =	sdelay $0x3  }
0xb4: {  	[tilespmem:v2+s12+$0x0] =	vst.idx.msk $0xffff, v1  }
0xb5: {  	v1 =	vld.idx.msk [tilespmem:v3+s9+$0x0], $0xffff  }
0xb6: {  	v2 =	vor.u32 v6, v17;
	_ =	sdelay $0x3  }
0xb7: {  	[tilespmem:v3+s12+$0x0] =	vst.idx.msk $0xffff, v1  }
0xb8: {  	v1 =	vld.idx.msk [tilespmem:v2+s9+$0x0], $0xffff  }
0xb9: {  	v3 =	vor.u32 v7, v17;
	_ =	sdelay $0x3  }
0xba: {  	[tilespmem:v2+s12+$0x0] =	vst.idx.msk $0xffff, v1  }
0xbb: {  	v1 =	vld.idx.msk [tilespmem:v3+s9+$0x0], $0xffff  }
0xbc: {  	v2 =	vor.u32 v8, v17;
	_ =	sdelay $0x3  }
0xbd: {  	[tilespmem:v3+s12+$0x0] =	vst.idx.msk $0xffff, v1  }
0xbe: {  	v1 =	vld.idx.msk [tilespmem:v2+s9+$0x0], $0xffff  }
0xbf: {  	v3 =	vor.u32 v9, v17;
	_ =	sdelay $0x3  }
0xc0: {  	[tilespmem:v2+s12+$0x0] =	vst.idx.msk $0xffff, v1  }
0xc1: {  	v1 =	vld.idx.msk [tilespmem:v3+s9+$0x0], $0xffff  }
0xc2: {  	v2 =	vor.u32 v10, v17;
	_ =	sdelay $0x3  }
0xc3: {  	[tilespmem:v3+s12+$0x0] =	vst.idx.msk $0xffff, v1  }
0xc4: {  	v1 =	vld.idx.msk [tilespmem:v2+s9+$0x0], $0xffff  }
0xc5: {  	v3 =	vor.u32 v11, v17;
	_ =	sdelay $0x3  }
0xc6: {  	[tilespmem:v2+s12+$0x0] =	vst.idx.msk $0xffff, v1  }
0xc7: {  	v1 =	vld.idx.msk [tilespmem:v3+s9+$0x0], $0xffff  }
0xc8: {  	v2 =	vor.u32 v12, v17;
	_ =	sdelay $0x3  }
0xc9: {  	[tilespmem:v3+s12+$0x0] =	vst.idx.msk $0xffff, v1  }
0xca: {  	v1 =	vld.idx.msk [tilespmem:v2+s9+$0x0], $0xffff  }
0xcb: {  	v3 =	vor.u32 v13, v17;
	_ =	sdelay $0x3  }
0xcc: {  	[tilespmem:v2+s12+$0x0] =	vst.idx.msk $0xffff, v1  }
0xcd: {  	v1 =	vld.idx.msk [tilespmem:v3+s9+$0x0], $0xffff  }
0xce: {  	v2 =	vor.u32 v14, v17;
	_ =	sdelay $0x3  }
0xcf: {  	[tilespmem:v3+s12+$0x0] =	vst.idx.msk $0xffff, v1  }
0xd0: {  	v1 =	vld.idx.msk [tilespmem:v2+s9+$0x0], $0xffff  }
0xd1: {  	v3 =	vor.u32 v15, v17;
	_ =	sdelay $0x3  }
0xd2: {  	[tilespmem:v2+s12+$0x0] =	vst.idx.msk $0xffff, v1  }
0xd3: {  	v1 =	vld.idx.msk [tilespmem:v3+s9+$0x0], $0xffff  }
0xd4: {  	v2 =	vor.u32 v16, v17;
	_ =	sdelay $0x3  }
0xd5: {  	s17 =	sshrl.u32 s15, $0x2;
	[tilespmem:v3+s12+$0x0] =	vst.idx.msk $0xffff, v1  }
0xd6: {  	s19 =	sshll.u32 s16, $0x4;
	s18 =	sshll.u32 s17, $0x7;
	v3 =	vld.idx.msk [tilespmem:v2+s9+$0x0], $0xffff  }
0xd7: {  	s28 =	simm.s32 $0x0;
	s18 =	ssub.s32 s19, s18  }
0xd8: {  	v4 =	vmov s28;
	v1 =	vmov s18  }
0xd9: {  	v4 =	vshll.u32 v4, $0x7;
	v1 =	vbroadcast v1, $0x0  }
0xda: {  	v17 =	vor.u32 v0, v4  }
0xdb: {  	p0 =	sgt.u32 s16, $0x1E;
	v4 =	vadd.s32 v1, v17;
	[tilespmem:v2+s12+$0x0] =	vst.idx.msk $0xffff, v3  }
0xdc: {  	s21 =	simm.s32 @!p0 $0x80;
	s19 =	sshll.u32 @!p0 s15, $0x8;
	_ =	swait.ge [sflag:s13], $0x4000  }
0xdd: {  	s19 =	sand.u32 @!p0 $0x3FFFFF00, s19;
	s20 =	sor.u32 $0x1, s18;
	[sflag:s13] =	ssyncset.done $0x0  }
0xde: {  	s19 =	sadd.s32 @!p0 $0x100, s19;
	v2 =	vmov s20;
	s20 =	simm.s32 @!p0 $0x1000;
	[sflag:s13] =	ssyncadd.s32 $0xFFFFC000  }
0xdf: {  	v2 =	vbroadcast v2, $0x0;
	[tilespmem:s20], [sflag:$0x1] =	stream.indirect.gather @!p0 [hbm4b:s3+s21], $0x80, s19, s21, $0xb8;
	[tilespmem:$0xD000] =	vst v63  }
0xe0: {  	v5 =	vld.idx.msk [tilespmem:v4+s11+$0x0], $0xffff  }
0xe1: {  	v6 =	vadd.s32 v2, v17;
	_ =	sdelay $0x1  }
0xe2: {  	s29 =	sor.u32 $0x2, s18  }
0xe3: {  	v3 =	vmov s29  }
0xe4: {  	v3 =	vbroadcast v3, $0x0;
	[tilespmem:v4+s12+$0x0] =	vst.idx.msk $0xffff, v5  }
0xe5: {  	v5 =	vld.idx.msk [tilespmem:v6+s11+$0x0], $0xffff  }
0xe6: {  	v7 =	vadd.s32 v3, v17;
	_ =	sdelay $0x1  }
0xe7: {  	s30 =	sor.u32 $0x3, s18  }
0xe8: {  	v4 =	vmov s30  }
0xe9: {  	v4 =	vbroadcast v4, $0x0;
	[tilespmem:v6+s12+$0x0] =	vst.idx.msk $0xffff, v5  }
0xea: {  	v6 =	vld.idx.msk [tilespmem:v7+s11+$0x0], $0xffff  }
0xeb: {  	v8 =	vadd.s32 v4, v17;
	_ =	sdelay $0x1  }
0xec: {  	s31 =	sor.u32 $0x4, s18  }
0xed: {  	v5 =	vmov s31  }
0xee: {  	v5 =	vbroadcast v5, $0x0;
	[tilespmem:v7+s12+$0x0] =	vst.idx.msk $0xffff, v6  }
0xef: {  	v7 =	vld.idx.msk [tilespmem:v8+s11+$0x0], $0xffff  }
0xf0: {  	v9 =	vadd.s32 v5, v17;
	_ =	sdelay $0x1  }
0xf1: {  	s20 =	sor.u32 $0x5, s18  }
0xf2: {  	v6 =	vmov s20  }
0xf3: {  	v6 =	vbroadcast v6, $0x0;
	[tilespmem:v8+s12+$0x0] =	vst.idx.msk $0xffff, v7  }
0xf4: {  	v8 =	vld.idx.msk [tilespmem:v9+s11+$0x0], $0xffff  }
0xf5: {  	v10 =	vadd.s32 v6, v17;
	_ =	sdelay $0x1  }
0xf6: {  	s21 =	sor.u32 $0x6, s18  }
0xf7: {  	v7 =	vmov s21  }
0xf8: {  	v7 =	vbroadcast v7, $0x0;
	[tilespmem:v9+s12+$0x0] =	vst.idx.msk $0xffff, v8  }
0xf9: {  	v9 =	vld.idx.msk [tilespmem:v10+s11+$0x0], $0xffff  }
0xfa: {  	v11 =	vadd.s32 v7, v17;
	_ =	sdelay $0x1  }
0xfb: {  	s22 =	sor.u32 $0x7, s18  }
0xfc: {  	v8 =	vmov s22  }
0xfd: {  	v8 =	vbroadcast v8, $0x0;
	[tilespmem:v10+s12+$0x0] =	vst.idx.msk $0xffff, v9  }
0xfe: {  	v10 =	vld.idx.msk [tilespmem:v11+s11+$0x0], $0xffff  }
0xff: {  	v12 =	vadd.s32 v8, v17;
	_ =	sdelay $0x1  }
0x100: {  	s23 =	sor.u32 $0x8, s18  }
0x101: {  	v9 =	vmov s23  }
0x102: {  	v9 =	vbroadcast v9, $0x0;
	[tilespmem:v11+s12+$0x0] =	vst.idx.msk $0xffff, v10  }
0x103: {  	v11 =	vld.idx.msk [tilespmem:v12+s11+$0x0], $0xffff  }
0x104: {  	v13 =	vadd.s32 v9, v17;
	_ =	sdelay $0x1  }
0x105: {  	s24 =	sor.u32 $0x9, s18  }
0x106: {  	v10 =	vmov s24  }
0x107: {  	v10 =	vbroadcast v10, $0x0;
	[tilespmem:v12+s12+$0x0] =	vst.idx.msk $0xffff, v11  }
0x108: {  	v12 =	vld.idx.msk [tilespmem:v13+s11+$0x0], $0xffff  }
0x109: {  	v14 =	vadd.s32 v10, v17;
	_ =	sdelay $0x1  }
0x10a: {  	s25 =	sor.u32 $0xA, s18  }
0x10b: {  	v11 =	vmov s25  }
0x10c: {  	v11 =	vbroadcast v11, $0x0;
	[tilespmem:v13+s12+$0x0] =	vst.idx.msk $0xffff, v12  }
0x10d: {  	v13 =	vld.idx.msk [tilespmem:v14+s11+$0x0], $0xffff  }
0x10e: {  	v15 =	vadd.s32 v11, v17;
	_ =	sdelay $0x1  }
0x10f: {  	s26 =	sor.u32 $0xB, s18  }
0x110: {  	v12 =	vmov s26  }
0x111: {  	v12 =	vbroadcast v12, $0x0;
	[tilespmem:v14+s12+$0x0] =	vst.idx.msk $0xffff, v13  }
0x112: {  	v14 =	vld.idx.msk [tilespmem:v15+s11+$0x0], $0xffff  }
0x113: {  	v16 =	vadd.s32 v12, v17;
	_ =	sdelay $0x1  }
0x114: {  	s28 =	sor.u32 $0xC, s18  }
0x115: {  	v13 =	vmov s28  }
0x116: {  	v13 =	vbroadcast v13, $0x0;
	[tilespmem:v15+s12+$0x0] =	vst.idx.msk $0xffff, v14  }
0x117: {  	v15 =	vld.idx.msk [tilespmem:v16+s11+$0x0], $0xffff  }
0x118: {  	v18 =	vadd.s32 v13, v17;
	_ =	sdelay $0x1  }
0x119: {  	s29 =	sor.u32 $0xD, s18  }
0x11a: {  	v14 =	vmov s29  }
0x11b: {  	v14 =	vbroadcast v14, $0x0;
	[tilespmem:v16+s12+$0x0] =	vst.idx.msk $0xffff, v15  }
0x11c: {  	v16 =	vld.idx.msk [tilespmem:v18+s11+$0x0], $0xffff  }
0x11d: {  	v19 =	vadd.s32 v14, v17;
	_ =	sdelay $0x1  }
0x11e: {  	s30 =	sor.u32 $0xE, s18  }
0x11f: {  	v15 =	vmov s30  }
0x120: {  	v15 =	vbroadcast v15, $0x0;
	[tilespmem:v18+s12+$0x0] =	vst.idx.msk $0xffff, v16  }
0x121: {  	v16 =	vld.idx.msk [tilespmem:v19+s11+$0x0], $0xffff  }
0x122: {  	v20 =	vadd.s32 v15, v17;
	_ =	sdelay $0x3  }
0x123: {  	s18 =	sor.u32 $0xF, s18;
	[tilespmem:v19+s12+$0x0] =	vst.idx.msk $0xffff, v16  }
0x124: {  	v16 =	vmov s18;
	v19 =	vld.idx.msk [tilespmem:v20+s11+$0x0], $0xffff  }
0x125: {  	v18 =	vadd.s32 v16, v17;
	_ =	sdelay $0x2  }
0x126: {  	s31 =	simm.s32 $0x10  }
0x127: {  	s18 =	simm.s32 $0x20;
	v17 =	vmov s31;
	[tilespmem:v20+s12+$0x0] =	vst.idx.msk $0xffff, v19  }
.LBB2_5:
0x128: {  	p0 =	sne.s32 s18, $0x70;
	v17 =	vshll.u32 v17, $0x7;
	v19 =	vld.idx.msk [tilespmem:v18+s11+$0x0], $0xffff  }
0x129: {  	v17 =	vor.u32 v0, v17  }
0x12a: {  	v20 =	vadd.s32 v1, v17;
	_ =	sdelay $0x3  }
0x12b: {  	[tilespmem:v18+s12+$0x0] =	vst.idx.msk $0xffff, v19  }
0x12c: {  	v18 =	vld.idx.msk [tilespmem:v20+s11+$0x0], $0xffff;
	_ =	sdelay $0x1  }
0x12d: {  	v19 =	vadd.s32 v2, v17;
	_ =	sdelay $0x3  }
0x12e: {  	[tilespmem:v20+s12+$0x0] =	vst.idx.msk $0xffff, v18  }
0x12f: {  	v18 =	vld.idx.msk [tilespmem:v19+s11+$0x0], $0xffff;
	_ =	sdelay $0x1  }
0x130: {  	v20 =	vadd.s32 v3, v17;
	_ =	sdelay $0x3  }
0x131: {  	[tilespmem:v19+s12+$0x0] =	vst.idx.msk $0xffff, v18  }
0x132: {  	v18 =	vld.idx.msk [tilespmem:v20+s11+$0x0], $0xffff;
	_ =	sdelay $0x1  }
0x133: {  	v19 =	vadd.s32 v4, v17;
	_ =	sdelay $0x3  }
0x134: {  	[tilespmem:v20+s12+$0x0] =	vst.idx.msk $0xffff, v18  }
0x135: {  	v18 =	vld.idx.msk [tilespmem:v19+s11+$0x0], $0xffff;
	_ =	sdelay $0x1  }
0x136: {  	v20 =	vadd.s32 v5, v17;
	_ =	sdelay $0x3  }
0x137: {  	[tilespmem:v19+s12+$0x0] =	vst.idx.msk $0xffff, v18  }
0x138: {  	v18 =	vld.idx.msk [tilespmem:v20+s11+$0x0], $0xffff;
	_ =	sdelay $0x1  }
0x139: {  	v19 =	vadd.s32 v6, v17;
	_ =	sdelay $0x3  }
0x13a: {  	[tilespmem:v20+s12+$0x0] =	vst.idx.msk $0xffff, v18  }
0x13b: {  	v18 =	vld.idx.msk [tilespmem:v19+s11+$0x0], $0xffff;
	_ =	sdelay $0x1  }
0x13c: {  	v20 =	vadd.s32 v7, v17;
	_ =	sdelay $0x3  }
0x13d: {  	[tilespmem:v19+s12+$0x0] =	vst.idx.msk $0xffff, v18  }
0x13e: {  	v18 =	vld.idx.msk [tilespmem:v20+s11+$0x0], $0xffff;
	_ =	sdelay $0x1  }
0x13f: {  	v19 =	vadd.s32 v8, v17;
	_ =	sdelay $0x3  }
0x140: {  	[tilespmem:v20+s12+$0x0] =	vst.idx.msk $0xffff, v18  }
0x141: {  	v18 =	vld.idx.msk [tilespmem:v19+s11+$0x0], $0xffff;
	_ =	sdelay $0x1  }
0x142: {  	v20 =	vadd.s32 v9, v17;
	_ =	sdelay $0x3  }
0x143: {  	[tilespmem:v19+s12+$0x0] =	vst.idx.msk $0xffff, v18  }
0x144: {  	v18 =	vld.idx.msk [tilespmem:v20+s11+$0x0], $0xffff;
	_ =	sdelay $0x1  }
0x145: {  	v19 =	vadd.s32 v10, v17;
	_ =	sdelay $0x3  }
0x146: {  	[tilespmem:v20+s12+$0x0] =	vst.idx.msk $0xffff, v18  }
0x147: {  	v18 =	vld.idx.msk [tilespmem:v19+s11+$0x0], $0xffff;
	_ =	sdelay $0x1  }
0x148: {  	v20 =	vadd.s32 v11, v17;
	_ =	sdelay $0x3  }
0x149: {  	[tilespmem:v19+s12+$0x0] =	vst.idx.msk $0xffff, v18  }
0x14a: {  	v18 =	vld.idx.msk [tilespmem:v20+s11+$0x0], $0xffff;
	_ =	sdelay $0x1  }
0x14b: {  	v19 =	vadd.s32 v12, v17;
	_ =	sdelay $0x3  }
0x14c: {  	[tilespmem:v20+s12+$0x0] =	vst.idx.msk $0xffff, v18  }
0x14d: {  	v18 =	vld.idx.msk [tilespmem:v19+s11+$0x0], $0xffff;
	_ =	sdelay $0x1  }
0x14e: {  	v20 =	vadd.s32 v13, v17;
	_ =	sdelay $0x3  }
0x14f: {  	[tilespmem:v19+s12+$0x0] =	vst.idx.msk $0xffff, v18  }
0x150: {  	v18 =	vld.idx.msk [tilespmem:v20+s11+$0x0], $0xffff;
	_ =	sdelay $0x1  }
0x151: {  	v19 =	vadd.s32 v14, v17;
	_ =	sdelay $0x3  }
0x152: {  	[tilespmem:v20+s12+$0x0] =	vst.idx.msk $0xffff, v18  }
0x153: {  	v18 =	vld.idx.msk [tilespmem:v19+s11+$0x0], $0xffff;
	_ =	sdelay $0x1  }
0x154: {  	v20 =	vadd.s32 v15, v17;
	_ =	sdelay $0x3  }
0x155: {  	[tilespmem:v19+s12+$0x0] =	vst.idx.msk $0xffff, v18  }
0x156: {  	v19 =	vld.idx.msk [tilespmem:v20+s11+$0x0], $0xffff;
	_ =	sdelay $0x1  }
.Ltmp1:
0x157: {  	v18 =	vadd.s32 v16, v17;
	(pc) =	sbr.rel @p0 .LBB2_5-.Ltmp1, $2  }
0x158: {  	_ =	sdelay $0x2  }
0x159: {  	v17 =	vmov s18;
	s18 =	sadd.s32 $0x10, s18;
	[tilespmem:v20+s12+$0x0] =	vst.idx.msk $0xffff, v19  }
0x15a: {  	_ =	sdelay $0x2  }
0x15b: {  	v17 =	vshll.u32 v17, $0x7  }
0x15c: {  	v19 =	vld.idx.msk [tilespmem:v18+s11+$0x0], $0xffff;
	v17 =	vor.u32 v0, v17  }
0x15d: {  	v1 =	vadd.s32 v1, v17;
	_ =	sdelay $0x3  }
0x15e: {  	[tilespmem:v18+s12+$0x0] =	vst.idx.msk $0xffff, v19  }
0x15f: {  	v18 =	vld.idx.msk [tilespmem:v1+s11+$0x0], $0xffff  }
0x160: {  	v2 =	vadd.s32 v2, v17;
	_ =	sdelay $0x3  }
0x161: {  	[tilespmem:v1+s12+$0x0] =	vst.idx.msk $0xffff, v18  }
0x162: {  	v1 =	vld.idx.msk [tilespmem:v2+s11+$0x0], $0xffff  }
0x163: {  	v3 =	vadd.s32 v3, v17;
	_ =	sdelay $0x3  }
0x164: {  	[tilespmem:v2+s12+$0x0] =	vst.idx.msk $0xffff, v1  }
0x165: {  	v1 =	vld.idx.msk [tilespmem:v3+s11+$0x0], $0xffff  }
0x166: {  	v2 =	vadd.s32 v4, v17;
	_ =	sdelay $0x3  }
0x167: {  	[tilespmem:v3+s12+$0x0] =	vst.idx.msk $0xffff, v1  }
0x168: {  	v1 =	vld.idx.msk [tilespmem:v2+s11+$0x0], $0xffff  }
0x169: {  	v3 =	vadd.s32 v5, v17;
	_ =	sdelay $0x3  }
0x16a: {  	[tilespmem:v2+s12+$0x0] =	vst.idx.msk $0xffff, v1  }
0x16b: {  	v1 =	vld.idx.msk [tilespmem:v3+s11+$0x0], $0xffff  }
0x16c: {  	v2 =	vadd.s32 v6, v17;
	_ =	sdelay $0x3  }
0x16d: {  	[tilespmem:v3+s12+$0x0] =	vst.idx.msk $0xffff, v1  }
0x16e: {  	v1 =	vld.idx.msk [tilespmem:v2+s11+$0x0], $0xffff  }
0x16f: {  	v3 =	vadd.s32 v7, v17;
	_ =	sdelay $0x3  }
0x170: {  	[tilespmem:v2+s12+$0x0] =	vst.idx.msk $0xffff, v1  }
0x171: {  	v1 =	vld.idx.msk [tilespmem:v3+s11+$0x0], $0xffff  }
0x172: {  	v2 =	vadd.s32 v8, v17;
	_ =	sdelay $0x3  }
0x173: {  	[tilespmem:v3+s12+$0x0] =	vst.idx.msk $0xffff, v1  }
0x174: {  	v1 =	vld.idx.msk [tilespmem:v2+s11+$0x0], $0xffff  }
0x175: {  	v3 =	vadd.s32 v9, v17;
	_ =	sdelay $0x3  }
0x176: {  	[tilespmem:v2+s12+$0x0] =	vst.idx.msk $0xffff, v1  }
0x177: {  	v1 =	vld.idx.msk [tilespmem:v3+s11+$0x0], $0xffff  }
0x178: {  	v2 =	vadd.s32 v10, v17;
	_ =	sdelay $0x3  }
0x179: {  	[tilespmem:v3+s12+$0x0] =	vst.idx.msk $0xffff, v1  }
0x17a: {  	v1 =	vld.idx.msk [tilespmem:v2+s11+$0x0], $0xffff  }
0x17b: {  	v3 =	vadd.s32 v11, v17;
	_ =	sdelay $0x3  }
0x17c: {  	[tilespmem:v2+s12+$0x0] =	vst.idx.msk $0xffff, v1  }
0x17d: {  	v1 =	vld.idx.msk [tilespmem:v3+s11+$0x0], $0xffff  }
0x17e: {  	v2 =	vadd.s32 v12, v17;
	_ =	sdelay $0x3  }
0x17f: {  	[tilespmem:v3+s12+$0x0] =	vst.idx.msk $0xffff, v1  }
0x180: {  	v1 =	vld.idx.msk [tilespmem:v2+s11+$0x0], $0xffff  }
0x181: {  	v3 =	vadd.s32 v13, v17;
	_ =	sdelay $0x3  }
0x182: {  	[tilespmem:v2+s12+$0x0] =	vst.idx.msk $0xffff, v1  }
0x183: {  	v1 =	vld.idx.msk [tilespmem:v3+s11+$0x0], $0xffff  }
0x184: {  	v2 =	vadd.s32 v14, v17;
	_ =	sdelay $0x3  }
0x185: {  	[tilespmem:v3+s12+$0x0] =	vst.idx.msk $0xffff, v1  }
0x186: {  	v1 =	vld.idx.msk [tilespmem:v2+s11+$0x0], $0xffff  }
0x187: {  	v3 =	vadd.s32 v15, v17;
	_ =	sdelay $0x3  }
0x188: {  	[tilespmem:v2+s12+$0x0] =	vst.idx.msk $0xffff, v1  }
0x189: {  	v1 =	vld.idx.msk [tilespmem:v3+s11+$0x0], $0xffff  }
0x18a: {  	v2 =	vadd.s32 v16, v17;
	_ =	sdelay $0x3  }
0x18b: {  	[tilespmem:v3+s12+$0x0] =	vst.idx.msk $0xffff, v1  }
0x18c: {  	v1 =	vld.idx.msk [tilespmem:v2+s11+$0x0], $0xffff;
	_ =	sdelay $0x1  }
0x18d: {  	s16 =	sand.u32 $0x7, s16  }
0x18e: {  	s15 =	sadd.s32 $0x1, s15;
	p0 =	sne.s32 s16, $0x7  }
0x18f: {  	p1 =	sne.s32 s15, $0x10;
	s16 =	sshll.u32 @!p0 s17, $0xB  }
0x190: {  	s17 =	simm.s32 @!p0 $0x0;
	s18 =	simm.s32 @!p0 $0x9000;
	s16 =	sadd.s32 @!p0 s16, s5;
	[tilespmem:v2+s12+$0x0] =	vst.idx.msk $0xffff, v1  }
0x191: {  	[hbm4b:s16+s17] =	stream.linear.scatter @!p0 [tilespmem:s18], [sflag:$0x3], $0x4000, $0x38;
	[tilespmem:$0xD000] =	vst v63  }
.Ltmp2:
0x192: {  	_ = 	snop;
	(pc) =	sbr.rel @p1 .LBB2_2-.Ltmp2, $4  }
0x193: {  	s16 =	simm.s32 @!p0 $0x3  }
0x194: {  	_ =	swait.ge @!p0 [sflag:s16], $0x4000  }
0x195: {  	[sflag:s16] =	ssyncset.done @!p0 $0x0  }
0x196: {  	[sflag:s16] =	ssyncadd.s32 @!p0 $0xFFFFC000  }
0x197: {  	s14 =	sadd.s32 $0x1, s14  }
0x198: {  	p0 =	sne.s32 s14, s6  }
.Ltmp3:
0x199: {  	_ = 	snop;
	(pc) =	sbr.rel @p0 .LBB2_1-.Ltmp3, $1  }
0x19a: {  	_ =	sdelay $0x3  }
0x19b: {  	_ =	sfence.sel $0x180000  }
0x19c: {  	[bflag:$0x0] =	sbarrier.arrive $0xFFFF  }
0x19d: {  	p0 =	sne.s32 s1, $0x0;
	_ =	strace $0x90000047  }
0x19e: {  	s0 =	sadd.s32 @!p0 $0x100000, s0;
	[bflag:$0x2] =	sbarrier.arrive $0xFFFF  }
0x19f: {  	[sflag:s0] =	ssyncadd.tile.s32 @!p0 $0x1;
	_ =	shalt  }
.Lfunc_end2:
_tile_overlayer_lowered:
.L_overlay_start_2:
0x1a0: {  	(tag) =	ssettag $0x2  }
0x1a1: {  	s0 =	rddreg [dreg:$0x0];
	s2 =	stileid.u32  }
0x1a2: {  	s1 =	rddreg [dreg:$0x1];
	p0 =	sne.s32 s2, $0x0  }
0x1a3: {  	s3 =	rddreg [dreg:$0x2];
	[bflag:$0x3] =	sbarrier.arrive $0xFFFF;
	s2 =	simm.s32 @!p0 $0x1C03  }
0x1a4: {  	[timem:s3], [sflag:s2] =	dma.local @!p0 [hbm:s0], s1  }
0x1a5: {  	s0 =	simm.s32 @!p0 $0x3  }
0x1a6: {  	_ =	swait.ge @!p0 [sflag:s0], s1  }
0x1a7: {  	s1 =	ssub.s32 @!p0 $0x0, s1;
	[sflag:s0] =	ssyncset.done @!p0 $0x0  }
0x1a8: {  	[sflag:s0] =	ssyncadd.s32 @!p0 s1  }
0x1a9: {  	[bflag:$0x3] =	sbarrier.arrive $0xFFFF  }
0x1aa: {  	_ =	shalt  }

</sc_bundles>
